<compile_context>
chip_gen: v7x
topology: tpu7x:2x2x1
jax: 0.10.2.dev20260603
libtpu: 0.0.44.dev20260713+nightly
codegen_flags: <defaults>
</compile_context>

<pallas_src>
import functools

import jax
import jax.numpy as jnp
import numpy as np
from jax import lax
from jax.experimental import pallas as pl
from jax.experimental.pallas import tpu as pltpu
from jax.experimental.pallas import tpu_sc as plsc

_rng = np.random.RandomState(12345)
_xs = _rng.randn(1000000)
_SILU_CST = float(1.0 / np.sqrt(np.mean((_xs / (1.0 + np.exp(-_xs))) ** 2)))


def _msg_body(eb_ref, ef_ref, xs_ref, w0_ref, w1_ref, w2_ref, out_ref):
    h = eb_ref[...] @ w0_ref[...]
    h = _SILU_CST * (h * jax.nn.sigmoid(h))
    h = h @ w1_ref[...]
    h = _SILU_CST * (h * jax.nn.sigmoid(h))
    wp = h @ w2_ref[...]
    ef = ef_ref[...]
    acc = wp[:, 0:128] * ef[:, 0:1]
    acc += wp[:, 128:256] * ef[:, 1:2]
    acc += wp[:, 256:384] * ef[:, 2:3]
    acc += wp[:, 384:512] * ef[:, 3:4]
    out_ref[...] = acc * xs_ref[...]


def _make_msg_call(E, BE, RAD_EMBED, MUL_IN, MUL_EDGE):
    grid = (E // BE,)
    return pl.pallas_call(
        _msg_body,
        grid=grid,
        in_specs=[
            pl.BlockSpec((BE, RAD_EMBED), lambda i: (i, 0)),
            pl.BlockSpec((BE, MUL_EDGE), lambda i: (i, 0)),
            pl.BlockSpec((BE, MUL_IN), lambda i: (i, 0)),
            pl.BlockSpec((RAD_EMBED, 128), lambda i: (0, 0)),
            pl.BlockSpec((128, 128), lambda i: (0, 0)),
            pl.BlockSpec((128, MUL_EDGE * MUL_IN), lambda i: (0, 0)),
        ],
        out_specs=pl.BlockSpec((BE, MUL_IN), lambda i: (i, 0)),
        out_shape=jax.ShapeDtypeStruct((E, MUL_IN), jnp.float32),
    )


def _final_body(p_ref, nf_ref, w_ref, out_ref):
    out_ref[...] = p_ref[...] + nf_ref[...] @ w_ref[...]


def _make_final_call(N, BN, MUL_IN):
    return pl.pallas_call(
        _final_body,
        grid=(N // BN,),
        in_specs=[
            pl.BlockSpec((BN, MUL_IN), lambda i: (i, 0)),
            pl.BlockSpec((BN, MUL_IN), lambda i: (i, 0)),
            pl.BlockSpec((MUL_IN, MUL_IN), lambda i: (0, 0)),
        ],
        out_specs=pl.BlockSpec((BN, MUL_IN), lambda i: (i, 0)),
        out_shape=jax.ShapeDtypeStruct((N, MUL_IN), jnp.float32),
    )


def _make_gather(E, N, D, NC, NS, C):
    NW = NC * NS
    per_w = E // NW
    n_chunks = per_w // C
    mesh = plsc.VectorSubcoreMesh(core_axis_name="c", subcore_axis_name="s")

    @functools.partial(
        pl.kernel,
        out_type=jax.ShapeDtypeStruct((E, D), jnp.float32),
        mesh=mesh,
        scratch_types=[
            pltpu.VMEM((C,), jnp.int32),
            pltpu.VMEM((C, D), jnp.float32),
            pltpu.SemaphoreType.DMA,
        ],
    )
    def gather_k(nf_hbm, src_hbm, xsrc_hbm, idx_v, rows_v, sem):
        wid = lax.axis_index("s") * NC + lax.axis_index("c")
        base = wid * per_w

        @pl.loop(0, n_chunks)
        def _chunk(i):
            off = base + i * C
            pltpu.sync_copy(src_hbm.at[pl.ds(off, C)], idx_v)
            pltpu.async_copy(nf_hbm.at[idx_v], rows_v, sem).wait()
            pltpu.sync_copy(rows_v, xsrc_hbm.at[pl.ds(off, C)])

    return gather_k


def _make_scatter(E, N, D, NC, NS, C, ZR):
    half = N // 2
    per_tile = E // NS
    n_chunks = per_tile // C
    n_zchunks = half // ZR
    mesh = plsc.VectorSubcoreMesh(core_axis_name="c", subcore_axis_name="s")

    @functools.partial(
        pl.kernel,
        out_type=jax.ShapeDtypeStruct((N, D), jnp.float32),
        mesh=mesh,
        scratch_types=[
            pltpu.VMEM((C,), jnp.int32),
            pltpu.VMEM((C, D), jnp.float32),
            pltpu.VMEM((ZR, D), jnp.float32),
            pltpu.VMEM_SHARED((half + 8, D), jnp.float32),
            pltpu.SemaphoreType.DMA,
        ],
    )
    def scatter_k(msg_hbm, dst_hbm, zeros_hbm, out_hbm,
                  idx_v, rows_v, zbuf, acc_sh, sem):
        cid = lax.axis_index("c")
        sid = lax.axis_index("s")
        my_lo = cid * half
        base = sid * per_tile

        pltpu.sync_copy(zeros_hbm.at[pl.ds(0, ZR)], zbuf)

        @pl.loop(sid, n_zchunks, step=NS)
        def _z(j):
            pltpu.sync_copy(zbuf, acc_sh.at[pl.ds(j * ZR, ZR)])

        plsc.subcore_barrier()

        lanes = lax.iota(jnp.int32, 16)

        @pl.loop(0, n_chunks)
        def _chunk(i):
            off = base + i * C
            pltpu.sync_copy(dst_hbm.at[pl.ds(off, C)], idx_v)
            pltpu.sync_copy(msg_hbm.at[pl.ds(off, C)], rows_v)
            for k in range(C // 16):
                t = idx_v[pl.ds(k * 16, 16)] - my_lo
                inr = (t >= 0) & (t < half)
                idx_v[pl.ds(k * 16, 16)] = jnp.where(
                    inr, t, half + (lanes & 7))
            pltpu.sync_copy(rows_v, acc_sh.at[idx_v], add=True)

        plsc.subcore_barrier()

        @pl.loop(sid, n_zchunks, step=NS)
        def _wb(j):
            pltpu.sync_copy(acc_sh.at[pl.ds(j * ZR, ZR)], zbuf)
            pltpu.sync_copy(zbuf, out_hbm.at[pl.ds(my_lo + j * ZR, ZR)])

    return scatter_k


def kernel(edge_index, node_feat, edge_feat, edge_embed, dim_size,
           fc_w0, fc_w1, fc_w2, sc_w):
    E = edge_index.shape[1]
    N, MUL_IN = node_feat.shape
    MUL_EDGE = edge_feat.shape[1]
    RAD_EMBED = edge_embed.shape[1]
    path_weight = 1.0 / np.sqrt(float(MUL_EDGE))

    src = edge_index[0]
    dst = edge_index[1]

    w0n = fc_w0 / np.sqrt(float(fc_w0.shape[0]))
    w1n = fc_w1 / np.sqrt(float(fc_w1.shape[0]))
    w2n = (fc_w2 * (path_weight / np.sqrt(float(fc_w2.shape[0]))))
    w2p = w2n.reshape(fc_w2.shape[0], MUL_IN, MUL_EDGE).transpose(0, 2, 1) \
             .reshape(fc_w2.shape[0], MUL_EDGE * MUL_IN)
    sc_wn = sc_w / np.sqrt(float(MUL_IN))

    info = plsc.get_sparse_core_info()
    NC, NS = info.num_cores, info.num_subcores

    gather_k = _make_gather(E, N, MUL_IN, NC, NS, C=80)
    x_src = gather_k(node_feat, src)

    msg_call = _make_msg_call(E, 2560, RAD_EMBED, MUL_IN, MUL_EDGE)
    msg = msg_call(edge_embed, edge_feat, x_src, w0n, w1n, w2p)

    zeros = jnp.zeros((200, MUL_IN), jnp.float32)
    scatter_k = _make_scatter(E, N, MUL_IN, NC, NS, C=80, ZR=200)
    scat = scatter_k(msg, dst, zeros)

    final_call = _make_final_call(N, 2000, MUL_IN)
    return final_call(scat, node_feat, sc_wn)

# --- scband reference (transcript-rebuilt; emitter-appended) ---
"""Pipeline reference for scband-gcnlayer-6889127543192 (READ-ONLY COPY).

The authoritative reference and input builder live on the scoring server;
editing this copy changes nothing except your own understanding.
"""

import jax, jax.numpy as jnp
import numpy as np

N_NODES = 10000
N_EDGES = 320000
MUL_IN = 128
MUL_EDGE = 4
RAD_EMBED = 64
RAD_HIDDEN = 128
W_NUMEL = MUL_IN * MUL_EDGE  # 'uvu' tensor product weight numel = mul_in1 * mul_in2
PATH_WEIGHT = 1.0 / np.sqrt(float(MUL_EDGE))  # e3nn component/element normalization for 0e x 0e -> 0e 'uvu' path

# e3nn normalize2mom constant for silu (second-moment normalization over N(0,1))
_rng = np.random.RandomState(12345)
_xs = _rng.randn(1000000)
_SILU_CST = float(1.0 / np.sqrt(np.mean((_xs / (1.0 + np.exp(-_xs))) ** 2)))

def _silu(x):
    return jax.nn.silu(x) * _SILU_CST


def setup_inputs(seed: int = 0) -> dict:
    key = jax.random.key(seed)
    ks = jax.random.split(key, 8)
    edge_index = jax.random.randint(ks[0], (2, N_EDGES), 0, N_NODES, dtype=jnp.int32)
    node_feat = jax.random.normal(ks[1], (N_NODES, MUL_IN), dtype=jnp.float32)
    edge_feat = jax.random.normal(ks[2], (N_EDGES, MUL_EDGE), dtype=jnp.float32)
    edge_embed = jax.random.normal(ks[3], (N_EDGES, RAD_EMBED), dtype=jnp.float32)
    # learned params: radial MLP [64 -> 128 -> 128 -> 512] (e3nn FullyConnectedNet, no bias),
    # self-connection o3.Linear on 128x0e -> 128x0e
    fc_w0 = jax.random.normal(ks[4], (RAD_EMBED, RAD_HIDDEN), dtype=jnp.float32)
    fc_w1 = jax.random.normal(ks[5], (RAD_HIDDEN, RAD_HIDDEN), dtype=jnp.float32)
    fc_w2 = jax.random.normal(ks[6], (RAD_HIDDEN, W_NUMEL), dtype=jnp.float32)
    sc_w = jax.random.normal(ks[7], (MUL_IN, MUL_IN), dtype=jnp.float32)
    return {"edge_index": edge_index, "node_feat": node_feat, "edge_feat": edge_feat,
            "edge_embed": edge_embed, "dim_size": N_NODES,
            "fc_w0": fc_w0, "fc_w1": fc_w1, "fc_w2": fc_w2, "sc_w": sc_w}


def reference(edge_index, node_feat, edge_feat, edge_embed, dim_size, fc_w0, fc_w1, fc_w2, sc_w):
    src = edge_index[0]
    dst = edge_index[1]
    # radial network (e3nn FullyConnectedNet: x @ W / sqrt(fan_in), normalized silu)
    h = _silu(edge_embed @ (fc_w0 / np.sqrt(float(fc_w0.shape[0]))))
    h = _silu(h @ (fc_w1 / np.sqrt(float(fc_w1.shape[0]))))
    weight = h @ (fc_w2 / np.sqrt(float(fc_w2.shape[0])))  # [E, 512]
    w = weight.reshape(-1, MUL_IN, MUL_EDGE)
    # 'uvu' tensor product on scalar irreps: out[e,u] = pw * x[src[e],u] * sum_v w[e,u,v] * y[e,v]
    x_src = jnp.take(node_feat, src, axis=0)  # gather [E, 128]
    msg = PATH_WEIGHT * x_src * jnp.einsum('euv,ev->eu', w, edge_feat)
    num_segments = node_feat.shape[0]
    out = jax.ops.segment_sum(msg, dst, num_segments=num_segments)  # scatter-add over dst
    out = out + (jnp.asarray(dim_size) - num_segments).astype(out.dtype) * jnp.zeros((), out.dtype)
    # self-connection: o3.Linear(128x0e -> 128x0e) = x @ W / sqrt(mul_in)
    out = out + node_feat @ (sc_w / np.sqrt(float(MUL_IN)))
    return out

if __name__ == "__main__":
    import jax
    _d = setup_inputs()
    print(jax.jit(kernel)(*tuple(_d.values())))

</pallas_src>

<mosaic_0001>
#map = affine_map<(d0, d1) -> (0, 0)>
#map1 = affine_map<(d0, d1) -> (0)>
module attributes {stable_mosaic.version = 14 : i64} {
  func.func @gather_k(%arg0: i32, %arg1: i32, %arg2: memref<10000x128xf32, #tpu.memory_space<hbm>>, %arg3: memref<320000xi32, #tpu.memory_space<hbm>>, %arg4: memref<320000x128xf32, #tpu.memory_space<hbm>>, %arg5: memref<80xi32, #tpu.memory_space<vmem>>, %arg6: memref<80x128xf32, #tpu.memory_space<vmem>>, %arg7: memref<!tpu.dma_semaphore, #tpu.memory_space<semaphore_mem>>) attributes {dimension_semantics = [#tpu.dimension_semantics<core_parallel>, #tpu.dimension_semantics<subcore_parallel>], iteration_bounds = array<i64: 2, 16>, scalar_prefetch = 0 : i64, scratch_operands = 3 : i64, tpu.core_type = #tpu.core_type<sc_vector_subcore>, window_params = [{transform_indices = #map}, {transform_indices = #map1}, {transform_indices = #map}]} {
    %mul3A = arith.constant 2 : i32
    %mul3A_0 = arith.muli %arg1, %mul3A : i32
    %add3A = arith.addi %mul3A_0, %arg0 : i32
    %mul3A_1 = arith.constant 10000 : i32
    %mul3A_2 = arith.muli %add3A, %mul3A_1 : i32
    %scan3A = arith.constant 0 : i32
    %scan3A_3 = arith.constant 125 : i32
    %scan3A_4 = arith.addi %scan3A, %scan3A_3 : i32
    %scan3A_5 = arith.constant 1 : i32
    scf.for %scan3A_7 = %scan3A to %scan3A_4 step %scan3A_5  : i32 {
      %mul3A_8 = arith.constant 1 : i32
      %mul3A_9 = arith.muli %scan3A_7, %mul3A_8 : i32
      %add3A_10 = arith.constant 0 : i32
      %add3A_11 = arith.addi %add3A_10, %mul3A_9 : i32
      %mul3A_12 = arith.constant 80 : i32
      %mul3A_13 = arith.muli %add3A_11, %mul3A_12 : i32
      %add3A_14 = arith.addi %mul3A_2, %mul3A_13 : i32
      "tpu.region"() ({
        %run_scoped3A = tpu.sem_alloc : memref<!tpu.dma_semaphore, #tpu.memory_space<semaphore_mem>>
        %dma_start3A_19 = tpu.memref_slice %arg3[%add3A_14] : memref<320000xi32, #tpu.memory_space<hbm>> -> memref<80xi32, #tpu.memory_space<hbm>>
        %dma_start3A_20 = tpu.memref_slice %arg3[%add3A_14] : memref<320000xi32, #tpu.memory_space<hbm>> -> memref<80xi32, #tpu.memory_space<hbm>>
        tpu.enqueue_dma source(%dma_start3A_20 : memref<80xi32, #tpu.memory_space<hbm>>) target(%arg5 : memref<80xi32, #tpu.memory_space<vmem>>) target_semaphore(%run_scoped3A : memref<!tpu.dma_semaphore, #tpu.memory_space<semaphore_mem>>)
        %dma_wait3A_21 = tpu.memref_slice %arg3[%add3A_14] : memref<320000xi32, #tpu.memory_space<hbm>> -> memref<80xi32, #tpu.memory_space<hbm>>
        %dma_wait3A_22 = tpu.memref_slice %arg3[%add3A_14] : memref<320000xi32, #tpu.memory_space<hbm>> -> memref<80xi32, #tpu.memory_space<hbm>>
        tpu.wait_dma2 semaphore(%run_scoped3A : memref<!tpu.dma_semaphore, #tpu.memory_space<semaphore_mem>>) src(%dma_wait3A_22 : memref<80xi32, #tpu.memory_space<hbm>>) dst(%arg5 : memref<80xi32, #tpu.memory_space<vmem>>)
        tpu.yield
      }) : () -> ()
      %dma_start3A = arith.constant 0 : i32
      %dma_start3A_15 = arith.constant 0 : i32
      %dma_start3A_16 = tpu.memref_slice %arg2[%dma_start3A, %dma_start3A_15] : memref<10000x128xf32, #tpu.memory_space<hbm>> -> memref<10000x128xf32, #tpu.memory_space<hbm>>
      tpu.enqueue_indirect_dma source(%dma_start3A_16 : memref<10000x128xf32, #tpu.memory_space<hbm>>) target(%arg6 : memref<80x128xf32, #tpu.memory_space<vmem>>) offsets(%arg5 : memref<80xi32, #tpu.memory_space<vmem>>) semaphore(%arg7 : memref<!tpu.dma_semaphore, #tpu.memory_space<semaphore_mem>>)
      %dma_wait3A = arith.constant 0 : i32
      %dma_wait3A_17 = arith.constant 0 : i32
      %dma_wait3A_18 = tpu.memref_slice %arg2[%dma_wait3A, %dma_wait3A_17] : memref<10000x128xf32, #tpu.memory_space<hbm>> -> memref<10000x128xf32, #tpu.memory_space<hbm>>
      tpu.wait_indirect_dma semaphore(%arg7 : memref<!tpu.dma_semaphore, #tpu.memory_space<semaphore_mem>>) src(%dma_wait3A_18 : memref<10000x128xf32, #tpu.memory_space<hbm>>) dst(%arg6 : memref<80x128xf32, #tpu.memory_space<vmem>>)
      "tpu.region"() ({
        %run_scoped3A = tpu.sem_alloc : memref<!tpu.dma_semaphore, #tpu.memory_space<semaphore_mem>>
        %dma_start3A_19 = arith.constant 0 : i32
        %dma_start3A_20 = tpu.memref_slice %arg4[%add3A_14, %dma_start3A_19] : memref<320000x128xf32, #tpu.memory_space<hbm>> -> memref<80x128xf32, #tpu.memory_space<hbm>>
        %dma_start3A_21 = arith.constant 0 : i32
        %dma_start3A_22 = tpu.memref_slice %arg4[%add3A_14, %dma_start3A_21] : memref<320000x128xf32, #tpu.memory_space<hbm>> -> memref<80x128xf32, #tpu.memory_space<hbm>>
        tpu.enqueue_dma source(%arg6 : memref<80x128xf32, #tpu.memory_space<vmem>>) target(%dma_start3A_22 : memref<80x128xf32, #tpu.memory_space<hbm>>) target_semaphore(%run_scoped3A : memref<!tpu.dma_semaphore, #tpu.memory_space<semaphore_mem>>)
        %dma_wait3A_23 = arith.constant 0 : i32
        %dma_wait3A_24 = tpu.memref_slice %arg4[%add3A_14, %dma_wait3A_23] : memref<320000x128xf32, #tpu.memory_space<hbm>> -> memref<80x128xf32, #tpu.memory_space<hbm>>
        %dma_wait3A_25 = arith.constant 0 : i32
        %dma_wait3A_26 = tpu.memref_slice %arg4[%add3A_14, %dma_wait3A_25] : memref<320000x128xf32, #tpu.memory_space<hbm>> -> memref<80x128xf32, #tpu.memory_space<hbm>>
        tpu.wait_dma2 semaphore(%run_scoped3A : memref<!tpu.dma_semaphore, #tpu.memory_space<semaphore_mem>>) src(%arg6 : memref<80x128xf32, #tpu.memory_space<vmem>>) dst(%dma_wait3A_26 : memref<80x128xf32, #tpu.memory_space<hbm>>)
        tpu.yield
      }) : () -> ()
    }
    %scan3A_6 = arith.constant 125 : i32
    return
  }
}

#map = affine_map<(d0, d1) -> (0, 0)>
#map1 = affine_map<(d0, d1) -> (0)>
module attributes {stable_mosaic.version = 14 : i64} {
  func.func @scatter_k(%arg0: i32, %arg1: i32, %arg2: memref<320000x128xf32, #tpu.memory_space<hbm>>, %arg3: memref<320000xi32, #tpu.memory_space<hbm>>, %arg4: memref<200x128xf32, #tpu.memory_space<hbm>>, %arg5: memref<10000x128xf32, #tpu.memory_space<hbm>>, %arg6: memref<80xi32, #tpu.memory_space<vmem>>, %arg7: memref<80x128xf32, #tpu.memory_space<vmem>>, %arg8: memref<200x128xf32, #tpu.memory_space<vmem>>, %arg9: memref<5008x128xf32, #tpu.memory_space<vmem_shared>>, %arg10: memref<!tpu.dma_semaphore, #tpu.memory_space<semaphore_mem>>) attributes {dimension_semantics = [#tpu.dimension_semantics<core_parallel>, #tpu.dimension_semantics<subcore_parallel>], iteration_bounds = array<i64: 2, 16>, scalar_prefetch = 0 : i64, scratch_operands = 5 : i64, tpu.core_type = #tpu.core_type<sc_vector_subcore>, window_params = [{transform_indices = #map}, {transform_indices = #map1}, {transform_indices = #map}, {transform_indices = #map}]} {
    %mul3A = arith.constant 5000 : i32
    %mul3A_0 = arith.muli %arg0, %mul3A : i32
    %mul3A_1 = arith.constant 20000 : i32
    %mul3A_2 = arith.muli %arg1, %mul3A_1 : i32
    "tpu.region"() ({
      %run_scoped3A = tpu.sem_alloc : memref<!tpu.dma_semaphore, #tpu.memory_space<semaphore_mem>>
      %dma_start3A = arith.constant 0 : i32
      %dma_start3A_40 = arith.constant 0 : i32
      %dma_start3A_41 = tpu.memref_slice %arg4[%dma_start3A, %dma_start3A_40] : memref<200x128xf32, #tpu.memory_space<hbm>> -> memref<200x128xf32, #tpu.memory_space<hbm>>
      %dma_start3A_42 = arith.constant 0 : i32
      %dma_start3A_43 = arith.constant 0 : i32
      %dma_start3A_44 = tpu.memref_slice %arg4[%dma_start3A_42, %dma_start3A_43] : memref<200x128xf32, #tpu.memory_space<hbm>> -> memref<200x128xf32, #tpu.memory_space<hbm>>
      tpu.enqueue_dma source(%dma_start3A_44 : memref<200x128xf32, #tpu.memory_space<hbm>>) target(%arg8 : memref<200x128xf32, #tpu.memory_space<vmem>>) target_semaphore(%run_scoped3A : memref<!tpu.dma_semaphore, #tpu.memory_space<semaphore_mem>>)
      %dma_wait3A = arith.constant 0 : i32
      %dma_wait3A_45 = arith.constant 0 : i32
      %dma_wait3A_46 = tpu.memref_slice %arg4[%dma_wait3A, %dma_wait3A_45] : memref<200x128xf32, #tpu.memory_space<hbm>> -> memref<200x128xf32, #tpu.memory_space<hbm>>
      %dma_wait3A_47 = arith.constant 0 : i32
      %dma_wait3A_48 = arith.constant 0 : i32
      %dma_wait3A_49 = tpu.memref_slice %arg4[%dma_wait3A_47, %dma_wait3A_48] : memref<200x128xf32, #tpu.memory_space<hbm>> -> memref<200x128xf32, #tpu.memory_space<hbm>>
      tpu.wait_dma2 semaphore(%run_scoped3A : memref<!tpu.dma_semaphore, #tpu.memory_space<semaphore_mem>>) src(%dma_wait3A_49 : memref<200x128xf32, #tpu.memory_space<hbm>>) dst(%arg8 : memref<200x128xf32, #tpu.memory_space<vmem>>)
      tpu.yield
    }) : () -> ()
    %sub3A = arith.constant 25 : i32
    %sub3A_3 = arith.subi %sub3A, %arg1 : i32
    %sub3A_4 = arith.constant 16 : i32
    %sub3A_5 = arith.constant 1 : i32
    %sub3A_6 = arith.subi %sub3A_4, %sub3A_5 : i32
    %add3A = arith.addi %sub3A_3, %sub3A_6 : i32
    %div3A = arith.constant 16 : i32
    %div3A_7 = arith.divsi %add3A, %div3A : i32
    %while3A = arith.constant 16 : i32
    %while3A_8 = arith.constant 0 : i32
    %while3A_9 = arith.subi %div3A_7, %while3A_8 : i32
    %while3A_10 = arith.addi %while3A_8, %while3A_9 : i32
    %while3A_11 = arith.constant 1 : i32
    %while3A_12 = arith.divsi %while3A_9, %while3A_11 : i32
    %while3A_13 = arith.muli %while3A_12, %while3A_11 : i32
    %while3A_14 = arith.addi %while3A_8, %while3A_13 : i32
    %while3A_15 = arith.constant 1 : i32
    scf.for %while3A_40 = %while3A_8 to %while3A_14 step %while3A_15  : i32 {
      %mul3A_41 = arith.muli %while3A_40, %while3A : i32
      %add3A_42 = arith.addi %arg1, %mul3A_41 : i32
      %mul3A_43 = arith.constant 200 : i32
      %mul3A_44 = arith.muli %add3A_42, %mul3A_43 : i32
      "tpu.region"() ({
        %run_scoped3A = tpu.sem_alloc : memref<!tpu.dma_semaphore, #tpu.memory_space<semaphore_mem>>
        %dma_start3A = arith.constant 0 : i32
        %dma_start3A_45 = tpu.memref_slice %arg9[%mul3A_44, %dma_start3A] : memref<5008x128xf32, #tpu.memory_space<vmem_shared>> -> memref<200x128xf32, #tpu.memory_space<vmem_shared>>
        %dma_start3A_46 = arith.constant 0 : i32
        %dma_start3A_47 = tpu.memref_slice %arg9[%mul3A_44, %dma_start3A_46] : memref<5008x128xf32, #tpu.memory_space<vmem_shared>> -> memref<200x128xf32, #tpu.memory_space<vmem_shared>>
        tpu.enqueue_dma source(%arg8 : memref<200x128xf32, #tpu.memory_space<vmem>>) target(%dma_start3A_47 : memref<200x128xf32, #tpu.memory_space<vmem_shared>>) target_semaphore(%run_scoped3A : memref<!tpu.dma_semaphore, #tpu.memory_space<semaphore_mem>>)
        %dma_wait3A = arith.constant 0 : i32
        %dma_wait3A_48 = tpu.memref_slice %arg9[%mul3A_44, %dma_wait3A] : memref<5008x128xf32, #tpu.memory_space<vmem_shared>> -> memref<200x128xf32, #tpu.memory_space<vmem_shared>>
        %dma_wait3A_49 = arith.constant 0 : i32
        %dma_wait3A_50 = tpu.memref_slice %arg9[%mul3A_44, %dma_wait3A_49] : memref<5008x128xf32, #tpu.memory_space<vmem_shared>> -> memref<200x128xf32, #tpu.memory_space<vmem_shared>>
        tpu.wait_dma2 semaphore(%run_scoped3A : memref<!tpu.dma_semaphore, #tpu.memory_space<semaphore_mem>>) src(%arg8 : memref<200x128xf32, #tpu.memory_space<vmem>>) dst(%dma_wait3A_50 : memref<200x128xf32, #tpu.memory_space<vmem_shared>>)
        tpu.yield
      }) : () -> ()
    }
    %while3A_16 = arith.constant 1 : i32
    scf.for %while3A_40 = %while3A_14 to %while3A_10 step %while3A_16  : i32 {
      %mul3A_41 = arith.muli %while3A_40, %while3A : i32
      %add3A_42 = arith.addi %arg1, %mul3A_41 : i32
      %mul3A_43 = arith.constant 200 : i32
      %mul3A_44 = arith.muli %add3A_42, %mul3A_43 : i32
      "tpu.region"() ({
        %run_scoped3A = tpu.sem_alloc : memref<!tpu.dma_semaphore, #tpu.memory_space<semaphore_mem>>
        %dma_start3A = arith.constant 0 : i32
        %dma_start3A_45 = tpu.memref_slice %arg9[%mul3A_44, %dma_start3A] : memref<5008x128xf32, #tpu.memory_space<vmem_shared>> -> memref<200x128xf32, #tpu.memory_space<vmem_shared>>
        %dma_start3A_46 = arith.constant 0 : i32
        %dma_start3A_47 = tpu.memref_slice %arg9[%mul3A_44, %dma_start3A_46] : memref<5008x128xf32, #tpu.memory_space<vmem_shared>> -> memref<200x128xf32, #tpu.memory_space<vmem_shared>>
        tpu.enqueue_dma source(%arg8 : memref<200x128xf32, #tpu.memory_space<vmem>>) target(%dma_start3A_47 : memref<200x128xf32, #tpu.memory_space<vmem_shared>>) target_semaphore(%run_scoped3A : memref<!tpu.dma_semaphore, #tpu.memory_space<semaphore_mem>>)
        %dma_wait3A = arith.constant 0 : i32
        %dma_wait3A_48 = tpu.memref_slice %arg9[%mul3A_44, %dma_wait3A] : memref<5008x128xf32, #tpu.memory_space<vmem_shared>> -> memref<200x128xf32, #tpu.memory_space<vmem_shared>>
        %dma_wait3A_49 = arith.constant 0 : i32
        %dma_wait3A_50 = tpu.memref_slice %arg9[%mul3A_44, %dma_wait3A_49] : memref<5008x128xf32, #tpu.memory_space<vmem_shared>> -> memref<200x128xf32, #tpu.memory_space<vmem_shared>>
        tpu.wait_dma2 semaphore(%run_scoped3A : memref<!tpu.dma_semaphore, #tpu.memory_space<semaphore_mem>>) src(%arg8 : memref<200x128xf32, #tpu.memory_space<vmem>>) dst(%dma_wait3A_50 : memref<200x128xf32, #tpu.memory_space<vmem_shared>>)
        tpu.yield
      }) : () -> ()
    }
    %barrier3A = arith.constant 0 : index
    tpu.barrier barrier_id(%barrier3A)
    %iota3A = tpu.iota {dimensions = array<i32: 0>} : vector<16xi32>
    %scan3A = arith.constant 0 : i32
    %scan3A_17 = arith.constant 250 : i32
    %scan3A_18 = arith.addi %scan3A, %scan3A_17 : i32
    %scan3A_19 = arith.constant 1 : i32
    scf.for %scan3A_40 = %scan3A to %scan3A_18 step %scan3A_19  : i32 {
      %mul3A_41 = arith.constant 1 : i32
      %mul3A_42 = arith.muli %scan3A_40, %mul3A_41 : i32
      %add3A_43 = arith.constant 0 : i32
      %add3A_44 = arith.addi %add3A_43, %mul3A_42 : i32
      %mul3A_45 = arith.constant 80 : i32
      %mul3A_46 = arith.muli %add3A_44, %mul3A_45 : i32
      %add3A_47 = arith.addi %mul3A_2, %mul3A_46 : i32
      "tpu.region"() ({
        %run_scoped3A = tpu.sem_alloc : memref<!tpu.dma_semaphore, #tpu.memory_space<semaphore_mem>>
        %dma_start3A = tpu.memref_slice %arg3[%add3A_47] : memref<320000xi32, #tpu.memory_space<hbm>> -> memref<80xi32, #tpu.memory_space<hbm>>
        %dma_start3A_157 = tpu.memref_slice %arg3[%add3A_47] : memref<320000xi32, #tpu.memory_space<hbm>> -> memref<80xi32, #tpu.memory_space<hbm>>
        tpu.enqueue_dma source(%dma_start3A_157 : memref<80xi32, #tpu.memory_space<hbm>>) target(%arg6 : memref<80xi32, #tpu.memory_space<vmem>>) target_semaphore(%run_scoped3A : memref<!tpu.dma_semaphore, #tpu.memory_space<semaphore_mem>>)
        %dma_wait3A = tpu.memref_slice %arg3[%add3A_47] : memref<320000xi32, #tpu.memory_space<hbm>> -> memref<80xi32, #tpu.memory_space<hbm>>
        %dma_wait3A_158 = tpu.memref_slice %arg3[%add3A_47] : memref<320000xi32, #tpu.memory_space<hbm>> -> memref<80xi32, #tpu.memory_space<hbm>>
        tpu.wait_dma2 semaphore(%run_scoped3A : memref<!tpu.dma_semaphore, #tpu.memory_space<semaphore_mem>>) src(%dma_wait3A_158 : memref<80xi32, #tpu.memory_space<hbm>>) dst(%arg6 : memref<80xi32, #tpu.memory_space<vmem>>)
        tpu.yield
      }) : () -> ()
      "tpu.region"() ({
        %run_scoped3A = tpu.sem_alloc : memref<!tpu.dma_semaphore, #tpu.memory_space<semaphore_mem>>
        %dma_start3A = arith.constant 0 : i32
        %dma_start3A_157 = tpu.memref_slice %arg2[%add3A_47, %dma_start3A] : memref<320000x128xf32, #tpu.memory_space<hbm>> -> memref<80x128xf32, #tpu.memory_space<hbm>>
        %dma_start3A_158 = arith.constant 0 : i32
        %dma_start3A_159 = tpu.memref_slice %arg2[%add3A_47, %dma_start3A_158] : memref<320000x128xf32, #tpu.memory_space<hbm>> -> memref<80x128xf32, #tpu.memory_space<hbm>>
        tpu.enqueue_dma source(%dma_start3A_159 : memref<80x128xf32, #tpu.memory_space<hbm>>) target(%arg7 : memref<80x128xf32, #tpu.memory_space<vmem>>) target_semaphore(%run_scoped3A : memref<!tpu.dma_semaphore, #tpu.memory_space<semaphore_mem>>)
        %dma_wait3A = arith.constant 0 : i32
        %dma_wait3A_160 = tpu.memref_slice %arg2[%add3A_47, %dma_wait3A] : memref<320000x128xf32, #tpu.memory_space<hbm>> -> memref<80x128xf32, #tpu.memory_space<hbm>>
        %dma_wait3A_161 = arith.constant 0 : i32
        %dma_wait3A_162 = tpu.memref_slice %arg2[%add3A_47, %dma_wait3A_161] : memref<320000x128xf32, #tpu.memory_space<hbm>> -> memref<80x128xf32, #tpu.memory_space<hbm>>
        tpu.wait_dma2 semaphore(%run_scoped3A : memref<!tpu.dma_semaphore, #tpu.memory_space<semaphore_mem>>) src(%dma_wait3A_162 : memref<80x128xf32, #tpu.memory_space<hbm>>) dst(%arg7 : memref<80x128xf32, #tpu.memory_space<vmem>>)
        tpu.yield
      }) : () -> ()
      %get3A = arith.constant 0 : index
      %get3A_48 = tpu.vector_load %arg6[%get3A] {strides = array<i32>} : memref<80xi32, #tpu.memory_space<vmem>>, vector<16xi32>,
      %get3A_49 = vector.shape_cast %get3A_48 : vector<16xi32> to vector<16xi32>
      %sub3A_50 = vector.broadcast %mul3A_0 : i32 to vector<16xi32>
      %sub3A_51 = arith.subi %get3A_49, %sub3A_50 : vector<16xi32>
      %ge3A = arith.constant 0 : i32
      %ge3A_52 = vector.broadcast %ge3A : i32 to vector<16xi32>
      %ge3A_53 = arith.cmpi sge, %sub3A_51, %ge3A_52 : vector<16xi32>
      %lt3A = arith.constant 5000 : i32
      %lt3A_54 = vector.broadcast %lt3A : i32 to vector<16xi32>
      %lt3A_55 = arith.cmpi slt, %sub3A_51, %lt3A_54 : vector<16xi32>
      %and3A = arith.andi %ge3A_53, %lt3A_55 : vector<16xi1>
      %and3A_56 = arith.constant 7 : i32
      %and3A_57 = vector.broadcast %and3A_56 : i32 to vector<16xi32>
      %and3A_58 = arith.andi %iota3A, %and3A_57 : vector<16xi32>
      %add3A_59 = arith.constant 5000 : i32
      %add3A_60 = vector.broadcast %add3A_59 : i32 to vector<16xi32>
      %add3A_61 = arith.addi %add3A_60, %and3A_58 : vector<16xi32>
      %select_n3A = arith.select %and3A, %sub3A_51, %add3A_61 : vector<16xi1>, vector<16xi32>
      %swap3A = arith.constant 0 : index
      %swap3A_62 = tpu.vector_load %arg6[%swap3A] {strides = array<i32>} : memref<80xi32, #tpu.memory_space<vmem>>, vector<16xi32>,
      %swap3A_63 = vector.shape_cast %swap3A_62 : vector<16xi32> to vector<16xi32>
      %swap3A_64 = vector.shape_cast %select_n3A : vector<16xi32> to vector<16xi32>
      tpu.vector_store %arg6[%swap3A], %swap3A_64 {strides = array<i32>} : memref<80xi32, #tpu.memory_space<vmem>>, vector<16xi32>,
      %get3A_65 = arith.constant 16 : index
      %get3A_66 = tpu.vector_load %arg6[%get3A_65] {strides = array<i32>} : memref<80xi32, #tpu.memory_space<vmem>>, vector<16xi32>,
      %get3A_67 = vector.shape_cast %get3A_66 : vector<16xi32> to vector<16xi32>
      %sub3A_68 = vector.broadcast %mul3A_0 : i32 to vector<16xi32>
      %sub3A_69 = arith.subi %get3A_67, %sub3A_68 : vector<16xi32>
      %ge3A_70 = arith.constant 0 : i32
      %ge3A_71 = vector.broadcast %ge3A_70 : i32 to vector<16xi32>
      %ge3A_72 = arith.cmpi sge, %sub3A_69, %ge3A_71 : vector<16xi32>
      %lt3A_73 = arith.constant 5000 : i32
      %lt3A_74 = vector.broadcast %lt3A_73 : i32 to vector<16xi32>
      %lt3A_75 = arith.cmpi slt, %sub3A_69, %lt3A_74 : vector<16xi32>
      %and3A_76 = arith.andi %ge3A_72, %lt3A_75 : vector<16xi1>
      %and3A_77 = arith.constant 7 : i32
      %and3A_78 = vector.broadcast %and3A_77 : i32 to vector<16xi32>
      %and3A_79 = arith.andi %iota3A, %and3A_78 : vector<16xi32>
      %add3A_80 = arith.constant 5000 : i32
      %add3A_81 = vector.broadcast %add3A_80 : i32 to vector<16xi32>
      %add3A_82 = arith.addi %add3A_81, %and3A_79 : vector<16xi32>
      %select_n3A_83 = arith.select %and3A_76, %sub3A_69, %add3A_82 : vector<16xi1>, vector<16xi32>
      %swap3A_84 = arith.constant 16 : index
      %swap3A_85 = tpu.vector_load %arg6[%swap3A_84] {strides = array<i32>} : memref<80xi32, #tpu.memory_space<vmem>>, vector<16xi32>,
      %swap3A_86 = vector.shape_cast %swap3A_85 : vector<16xi32> to vector<16xi32>
      %swap3A_87 = vector.shape_cast %select_n3A_83 : vector<16xi32> to vector<16xi32>
      tpu.vector_store %arg6[%swap3A_84], %swap3A_87 {strides = array<i32>} : memref<80xi32, #tpu.memory_space<vmem>>, vector<16xi32>,
      %get3A_88 = arith.constant 32 : index
      %get3A_89 = tpu.vector_load %arg6[%get3A_88] {strides = array<i32>} : memref<80xi32, #tpu.memory_space<vmem>>, vector<16xi32>,
      %get3A_90 = vector.shape_cast %get3A_89 : vector<16xi32> to vector<16xi32>
      %sub3A_91 = vector.broadcast %mul3A_0 : i32 to vector<16xi32>
      %sub3A_92 = arith.subi %get3A_90, %sub3A_91 : vector<16xi32>
      %ge3A_93 = arith.constant 0 : i32
      %ge3A_94 = vector.broadcast %ge3A_93 : i32 to vector<16xi32>
      %ge3A_95 = arith.cmpi sge, %sub3A_92, %ge3A_94 : vector<16xi32>
      %lt3A_96 = arith.constant 5000 : i32
      %lt3A_97 = vector.broadcast %lt3A_96 : i32 to vector<16xi32>
      %lt3A_98 = arith.cmpi slt, %sub3A_92, %lt3A_97 : vector<16xi32>
      %and3A_99 = arith.andi %ge3A_95, %lt3A_98 : vector<16xi1>
      %and3A_100 = arith.constant 7 : i32
      %and3A_101 = vector.broadcast %and3A_100 : i32 to vector<16xi32>
      %and3A_102 = arith.andi %iota3A, %and3A_101 : vector<16xi32>
      %add3A_103 = arith.constant 5000 : i32
      %add3A_104 = vector.broadcast %add3A_103 : i32 to vector<16xi32>
      %add3A_105 = arith.addi %add3A_104, %and3A_102 : vector<16xi32>
      %select_n3A_106 = arith.select %and3A_99, %sub3A_92, %add3A_105 : vector<16xi1>, vector<16xi32>
      %swap3A_107 = arith.constant 32 : index
      %swap3A_108 = tpu.vector_load %arg6[%swap3A_107] {strides = array<i32>} : memref<80xi32, #tpu.memory_space<vmem>>, vector<16xi32>,
      %swap3A_109 = vector.shape_cast %swap3A_108 : vector<16xi32> to vector<16xi32>
      %swap3A_110 = vector.shape_cast %select_n3A_106 : vector<16xi32> to vector<16xi32>
      tpu.vector_store %arg6[%swap3A_107], %swap3A_110 {strides = array<i32>} : memref<80xi32, #tpu.memory_space<vmem>>, vector<16xi32>,
      %get3A_111 = arith.constant 48 : index
      %get3A_112 = tpu.vector_load %arg6[%get3A_111] {strides = array<i32>} : memref<80xi32, #tpu.memory_space<vmem>>, vector<16xi32>,
      %get3A_113 = vector.shape_cast %get3A_112 : vector<16xi32> to vector<16xi32>
      %sub3A_114 = vector.broadcast %mul3A_0 : i32 to vector<16xi32>
      %sub3A_115 = arith.subi %get3A_113, %sub3A_114 : vector<16xi32>
      %ge3A_116 = arith.constant 0 : i32
      %ge3A_117 = vector.broadcast %ge3A_116 : i32 to vector<16xi32>
      %ge3A_118 = arith.cmpi sge, %sub3A_115, %ge3A_117 : vector<16xi32>
      %lt3A_119 = arith.constant 5000 : i32
      %lt3A_120 = vector.broadcast %lt3A_119 : i32 to vector<16xi32>
      %lt3A_121 = arith.cmpi slt, %sub3A_115, %lt3A_120 : vector<16xi32>
      %and3A_122 = arith.andi %ge3A_118, %lt3A_121 : vector<16xi1>
      %and3A_123 = arith.constant 7 : i32
      %and3A_124 = vector.broadcast %and3A_123 : i32 to vector<16xi32>
      %and3A_125 = arith.andi %iota3A, %and3A_124 : vector<16xi32>
      %add3A_126 = arith.constant 5000 : i32
      %add3A_127 = vector.broadcast %add3A_126 : i32 to vector<16xi32>
      %add3A_128 = arith.addi %add3A_127, %and3A_125 : vector<16xi32>
      %select_n3A_129 = arith.select %and3A_122, %sub3A_115, %add3A_128 : vector<16xi1>, vector<16xi32>
      %swap3A_130 = arith.constant 48 : index
      %swap3A_131 = tpu.vector_load %arg6[%swap3A_130] {strides = array<i32>} : memref<80xi32, #tpu.memory_space<vmem>>, vector<16xi32>,
      %swap3A_132 = vector.shape_cast %swap3A_131 : vector<16xi32> to vector<16xi32>
      %swap3A_133 = vector.shape_cast %select_n3A_129 : vector<16xi32> to vector<16xi32>
      tpu.vector_store %arg6[%swap3A_130], %swap3A_133 {strides = array<i32>} : memref<80xi32, #tpu.memory_space<vmem>>, vector<16xi32>,
      %get3A_134 = arith.constant 64 : index
      %get3A_135 = tpu.vector_load %arg6[%get3A_134] {strides = array<i32>} : memref<80xi32, #tpu.memory_space<vmem>>, vector<16xi32>,
      %get3A_136 = vector.shape_cast %get3A_135 : vector<16xi32> to vector<16xi32>
      %sub3A_137 = vector.broadcast %mul3A_0 : i32 to vector<16xi32>
      %sub3A_138 = arith.subi %get3A_136, %sub3A_137 : vector<16xi32>
      %ge3A_139 = arith.constant 0 : i32
      %ge3A_140 = vector.broadcast %ge3A_139 : i32 to vector<16xi32>
      %ge3A_141 = arith.cmpi sge, %sub3A_138, %ge3A_140 : vector<16xi32>
      %lt3A_142 = arith.constant 5000 : i32
      %lt3A_143 = vector.broadcast %lt3A_142 : i32 to vector<16xi32>
      %lt3A_144 = arith.cmpi slt, %sub3A_138, %lt3A_143 : vector<16xi32>
      %and3A_145 = arith.andi %ge3A_141, %lt3A_144 : vector<16xi1>
      %and3A_146 = arith.constant 7 : i32
      %and3A_147 = vector.broadcast %and3A_146 : i32 to vector<16xi32>
      %and3A_148 = arith.andi %iota3A, %and3A_147 : vector<16xi32>
      %add3A_149 = arith.constant 5000 : i32
      %add3A_150 = vector.broadcast %add3A_149 : i32 to vector<16xi32>
      %add3A_151 = arith.addi %add3A_150, %and3A_148 : vector<16xi32>
      %select_n3A_152 = arith.select %and3A_145, %sub3A_138, %add3A_151 : vector<16xi1>, vector<16xi32>
      %swap3A_153 = arith.constant 64 : index
      %swap3A_154 = tpu.vector_load %arg6[%swap3A_153] {strides = array<i32>} : memref<80xi32, #tpu.memory_space<vmem>>, vector<16xi32>,
      %swap3A_155 = vector.shape_cast %swap3A_154 : vector<16xi32> to vector<16xi32>
      %swap3A_156 = vector.shape_cast %select_n3A_152 : vector<16xi32> to vector<16xi32>
      tpu.vector_store %arg6[%swap3A_153], %swap3A_156 {strides = array<i32>} : memref<80xi32, #tpu.memory_space<vmem>>, vector<16xi32>,
      "tpu.region"() ({
        %run_scoped3A = tpu.sem_alloc : memref<!tpu.dma_semaphore, #tpu.memory_space<semaphore_mem>>
        %dma_start3A = arith.constant 0 : i32
        %dma_start3A_157 = arith.constant 0 : i32
        %dma_start3A_158 = tpu.memref_slice %arg9[%dma_start3A, %dma_start3A_157] : memref<5008x128xf32, #tpu.memory_space<vmem_shared>> -> memref<5008x128xf32, #tpu.memory_space<vmem_shared>>
        tpu.enqueue_indirect_dma source(%arg7 : memref<80x128xf32, #tpu.memory_space<vmem>>) target(%dma_start3A_158 : memref<5008x128xf32, #tpu.memory_space<vmem_shared>>) offsets(%arg6 : memref<80xi32, #tpu.memory_space<vmem>>) semaphore(%run_scoped3A : memref<!tpu.dma_semaphore, #tpu.memory_space<semaphore_mem>>) {add = true}
        %dma_wait3A = arith.constant 0 : i32
        %dma_wait3A_159 = arith.constant 0 : i32
        %dma_wait3A_160 = tpu.memref_slice %arg9[%dma_wait3A, %dma_wait3A_159] : memref<5008x128xf32, #tpu.memory_space<vmem_shared>> -> memref<5008x128xf32, #tpu.memory_space<vmem_shared>>
        tpu.wait_indirect_dma semaphore(%run_scoped3A : memref<!tpu.dma_semaphore, #tpu.memory_space<semaphore_mem>>) src(%arg7 : memref<80x128xf32, #tpu.memory_space<vmem>>) dst(%dma_wait3A_160 : memref<5008x128xf32, #tpu.memory_space<vmem_shared>>)
        tpu.yield
      }) : () -> ()
    }
    %scan3A_20 = arith.constant 250 : i32
    %barrier3A_21 = arith.constant 0 : index
    tpu.barrier barrier_id(%barrier3A_21)
    %sub3A_22 = arith.constant 25 : i32
    %sub3A_23 = arith.subi %sub3A_22, %arg1 : i32
    %sub3A_24 = arith.constant 16 : i32
    %sub3A_25 = arith.constant 1 : i32
    %sub3A_26 = arith.subi %sub3A_24, %sub3A_25 : i32
    %add3A_27 = arith.addi %sub3A_23, %sub3A_26 : i32
    %div3A_28 = arith.constant 16 : i32
    %div3A_29 = arith.divsi %add3A_27, %div3A_28 : i32
    %while3A_30 = arith.constant 16 : i32
    %while3A_31 = arith.constant 0 : i32
    %while3A_32 = arith.subi %div3A_29, %while3A_31 : i32
    %while3A_33 = arith.addi %while3A_31, %while3A_32 : i32
    %while3A_34 = arith.constant 1 : i32
    %while3A_35 = arith.divsi %while3A_32, %while3A_34 : i32
    %while3A_36 = arith.muli %while3A_35, %while3A_34 : i32
    %while3A_37 = arith.addi %while3A_31, %while3A_36 : i32
    %while3A_38 = arith.constant 1 : i32
    scf.for %while3A_40 = %while3A_31 to %while3A_37 step %while3A_38  : i32 {
      %mul3A_41 = arith.muli %while3A_40, %while3A_30 : i32
      %add3A_42 = arith.addi %arg1, %mul3A_41 : i32
      %mul3A_43 = arith.constant 200 : i32
      %mul3A_44 = arith.muli %add3A_42, %mul3A_43 : i32
      "tpu.region"() ({
        %run_scoped3A = tpu.sem_alloc : memref<!tpu.dma_semaphore, #tpu.memory_space<semaphore_mem>>
        %dma_start3A = arith.constant 0 : i32
        %dma_start3A_48 = tpu.memref_slice %arg9[%mul3A_44, %dma_start3A] : memref<5008x128xf32, #tpu.memory_space<vmem_shared>> -> memref<200x128xf32, #tpu.memory_space<vmem_shared>>
        %dma_start3A_49 = arith.constant 0 : i32
        %dma_start3A_50 = tpu.memref_slice %arg9[%mul3A_44, %dma_start3A_49] : memref<5008x128xf32, #tpu.memory_space<vmem_shared>> -> memref<200x128xf32, #tpu.memory_space<vmem_shared>>
        tpu.enqueue_dma source(%dma_start3A_50 : memref<200x128xf32, #tpu.memory_space<vmem_shared>>) target(%arg8 : memref<200x128xf32, #tpu.memory_space<vmem>>) target_semaphore(%run_scoped3A : memref<!tpu.dma_semaphore, #tpu.memory_space<semaphore_mem>>)
        %dma_wait3A = arith.constant 0 : i32
        %dma_wait3A_51 = tpu.memref_slice %arg9[%mul3A_44, %dma_wait3A] : memref<5008x128xf32, #tpu.memory_space<vmem_shared>> -> memref<200x128xf32, #tpu.memory_space<vmem_shared>>
        %dma_wait3A_52 = arith.constant 0 : i32
        %dma_wait3A_53 = tpu.memref_slice %arg9[%mul3A_44, %dma_wait3A_52] : memref<5008x128xf32, #tpu.memory_space<vmem_shared>> -> memref<200x128xf32, #tpu.memory_space<vmem_shared>>
        tpu.wait_dma2 semaphore(%run_scoped3A : memref<!tpu.dma_semaphore, #tpu.memory_space<semaphore_mem>>) src(%dma_wait3A_53 : memref<200x128xf32, #tpu.memory_space<vmem_shared>>) dst(%arg8 : memref<200x128xf32, #tpu.memory_space<vmem>>)
        tpu.yield
      }) : () -> ()
      %mul3A_45 = arith.constant 200 : i32
      %mul3A_46 = arith.muli %add3A_42, %mul3A_45 : i32
      %add3A_47 = arith.addi %mul3A_0, %mul3A_46 : i32
      "tpu.region"() ({
        %run_scoped3A = tpu.sem_alloc : memref<!tpu.dma_semaphore, #tpu.memory_space<semaphore_mem>>
        %dma_start3A = arith.constant 0 : i32
        %dma_start3A_48 = tpu.memref_slice %arg5[%add3A_47, %dma_start3A] : memref<10000x128xf32, #tpu.memory_space<hbm>> -> memref<200x128xf32, #tpu.memory_space<hbm>>
        %dma_start3A_49 = arith.constant 0 : i32
        %dma_start3A_50 = tpu.memref_slice %arg5[%add3A_47, %dma_start3A_49] : memref<10000x128xf32, #tpu.memory_space<hbm>> -> memref<200x128xf32, #tpu.memory_space<hbm>>
        tpu.enqueue_dma source(%arg8 : memref<200x128xf32, #tpu.memory_space<vmem>>) target(%dma_start3A_50 : memref<200x128xf32, #tpu.memory_space<hbm>>) target_semaphore(%run_scoped3A : memref<!tpu.dma_semaphore, #tpu.memory_space<semaphore_mem>>)
        %dma_wait3A = arith.constant 0 : i32
        %dma_wait3A_51 = tpu.memref_slice %arg5[%add3A_47, %dma_wait3A] : memref<10000x128xf32, #tpu.memory_space<hbm>> -> memref<200x128xf32, #tpu.memory_space<hbm>>
        %dma_wait3A_52 = arith.constant 0 : i32
        %dma_wait3A_53 = tpu.memref_slice %arg5[%add3A_47, %dma_wait3A_52] : memref<10000x128xf32, #tpu.memory_space<hbm>> -> memref<200x128xf32, #tpu.memory_space<hbm>>
        tpu.wait_dma2 semaphore(%run_scoped3A : memref<!tpu.dma_semaphore, #tpu.memory_space<semaphore_mem>>) src(%arg8 : memref<200x128xf32, #tpu.memory_space<vmem>>) dst(%dma_wait3A_53 : memref<200x128xf32, #tpu.memory_space<hbm>>)
        tpu.yield
      }) : () -> ()
    }
    %while3A_39 = arith.constant 1 : i32
    scf.for %while3A_40 = %while3A_37 to %while3A_33 step %while3A_39  : i32 {
      %mul3A_41 = arith.muli %while3A_40, %while3A_30 : i32
      %add3A_42 = arith.addi %arg1, %mul3A_41 : i32
      %mul3A_43 = arith.constant 200 : i32
      %mul3A_44 = arith.muli %add3A_42, %mul3A_43 : i32
      "tpu.region"() ({
        %run_scoped3A = tpu.sem_alloc : memref<!tpu.dma_semaphore, #tpu.memory_space<semaphore_mem>>
        %dma_start3A = arith.constant 0 : i32
        %dma_start3A_48 = tpu.memref_slice %arg9[%mul3A_44, %dma_start3A] : memref<5008x128xf32, #tpu.memory_space<vmem_shared>> -> memref<200x128xf32, #tpu.memory_space<vmem_shared>>
        %dma_start3A_49 = arith.constant 0 : i32
        %dma_start3A_50 = tpu.memref_slice %arg9[%mul3A_44, %dma_start3A_49] : memref<5008x128xf32, #tpu.memory_space<vmem_shared>> -> memref<200x128xf32, #tpu.memory_space<vmem_shared>>
        tpu.enqueue_dma source(%dma_start3A_50 : memref<200x128xf32, #tpu.memory_space<vmem_shared>>) target(%arg8 : memref<200x128xf32, #tpu.memory_space<vmem>>) target_semaphore(%run_scoped3A : memref<!tpu.dma_semaphore, #tpu.memory_space<semaphore_mem>>)
        %dma_wait3A = arith.constant 0 : i32
        %dma_wait3A_51 = tpu.memref_slice %arg9[%mul3A_44, %dma_wait3A] : memref<5008x128xf32, #tpu.memory_space<vmem_shared>> -> memref<200x128xf32, #tpu.memory_space<vmem_shared>>
        %dma_wait3A_52 = arith.constant 0 : i32
        %dma_wait3A_53 = tpu.memref_slice %arg9[%mul3A_44, %dma_wait3A_52] : memref<5008x128xf32, #tpu.memory_space<vmem_shared>> -> memref<200x128xf32, #tpu.memory_space<vmem_shared>>
        tpu.wait_dma2 semaphore(%run_scoped3A : memref<!tpu.dma_semaphore, #tpu.memory_space<semaphore_mem>>) src(%dma_wait3A_53 : memref<200x128xf32, #tpu.memory_space<vmem_shared>>) dst(%arg8 : memref<200x128xf32, #tpu.memory_space<vmem>>)
        tpu.yield
      }) : () -> ()
      %mul3A_45 = arith.constant 200 : i32
      %mul3A_46 = arith.muli %add3A_42, %mul3A_45 : i32
      %add3A_47 = arith.addi %mul3A_0, %mul3A_46 : i32
      "tpu.region"() ({
        %run_scoped3A = tpu.sem_alloc : memref<!tpu.dma_semaphore, #tpu.memory_space<semaphore_mem>>
        %dma_start3A = arith.constant 0 : i32
        %dma_start3A_48 = tpu.memref_slice %arg5[%add3A_47, %dma_start3A] : memref<10000x128xf32, #tpu.memory_space<hbm>> -> memref<200x128xf32, #tpu.memory_space<hbm>>
        %dma_start3A_49 = arith.constant 0 : i32
        %dma_start3A_50 = tpu.memref_slice %arg5[%add3A_47, %dma_start3A_49] : memref<10000x128xf32, #tpu.memory_space<hbm>> -> memref<200x128xf32, #tpu.memory_space<hbm>>
        tpu.enqueue_dma source(%arg8 : memref<200x128xf32, #tpu.memory_space<vmem>>) target(%dma_start3A_50 : memref<200x128xf32, #tpu.memory_space<hbm>>) target_semaphore(%run_scoped3A : memref<!tpu.dma_semaphore, #tpu.memory_space<semaphore_mem>>)
        %dma_wait3A = arith.constant 0 : i32
        %dma_wait3A_51 = tpu.memref_slice %arg5[%add3A_47, %dma_wait3A] : memref<10000x128xf32, #tpu.memory_space<hbm>> -> memref<200x128xf32, #tpu.memory_space<hbm>>
        %dma_wait3A_52 = arith.constant 0 : i32
        %dma_wait3A_53 = tpu.memref_slice %arg5[%add3A_47, %dma_wait3A_52] : memref<10000x128xf32, #tpu.memory_space<hbm>> -> memref<200x128xf32, #tpu.memory_space<hbm>>
        tpu.wait_dma2 semaphore(%run_scoped3A : memref<!tpu.dma_semaphore, #tpu.memory_space<semaphore_mem>>) src(%arg8 : memref<200x128xf32, #tpu.memory_space<vmem>>) dst(%dma_wait3A_53 : memref<200x128xf32, #tpu.memory_space<hbm>>)
        tpu.yield
      }) : () -> ()
    }
    return
  }
}

module attributes {stable_mosaic.version = 14 : i64} {
  func.func @_msg_body(%arg0: i32, %arg1: memref<2560x64xf32, #tpu.memory_space<vmem>>, %arg2: memref<2560x4xf32, #tpu.memory_space<vmem>>, %arg3: memref<2560x128xf32, #tpu.memory_space<vmem>>, %arg4: memref<64x128xf32, #tpu.memory_space<vmem>>, %arg5: memref<128x128xf32, #tpu.memory_space<vmem>>, %arg6: memref<128x512xf32, #tpu.memory_space<vmem>>, %arg7: memref<2560x128xf32, #tpu.memory_space<vmem>>) attributes {dimension_semantics = [#tpu.dimension_semantics<arbitrary>], iteration_bounds = array<i64: 125>, scalar_prefetch = 0 : i64, scratch_operands = 0 : i64, tpu.core_type = #tpu.core_type<tc>, window_params = [{transform_indices = @transform_0, window_bounds = array<i64: 2560, 64>}, {transform_indices = @transform_1, window_bounds = array<i64: 2560, 4>}, {transform_indices = @transform_2, window_bounds = array<i64: 2560, 128>}, {pipeline_mode = #tpu.pipeline_mode<synchronous>, transform_indices = @transform_3, window_bounds = array<i64: 64, 128>}, {pipeline_mode = #tpu.pipeline_mode<synchronous>, transform_indices = @transform_4, window_bounds = array<i64: 128, 128>}, {pipeline_mode = #tpu.pipeline_mode<synchronous>, transform_indices = @transform_5, window_bounds = array<i64: 128, 512>}, {transform_indices = @transform_6, window_bounds = array<i64: 2560, 128>}]} {
    %get3A = arith.constant 0 : index
    %get3A_0 = arith.constant 0 : index
    %get3A_1 = vector.load %arg1[%get3A, %get3A_0] : memref<2560x64xf32, #tpu.memory_space<vmem>>, vector<2560x64xf32>
    %get3A_2 = arith.constant 0 : index
    %get3A_3 = arith.constant 0 : index
    %get3A_4 = vector.load %arg4[%get3A_2, %get3A_3] : memref<64x128xf32, #tpu.memory_space<vmem>>, vector<64x128xf32>
    %dot_general3A = arith.constant dense<0.000000e+00> : vector<2560x128xf32>
    %dot_general3A_5 = tpu.matmul %get3A_1, %get3A_4, %dot_general3A {dimension_numbers = #tpu.dot_dimension_numbers<[1], [0], [0], [1], [0, 0, 1, 1], [], []>, transpose_lhs_hint = false} : vector<2560x64xf32>, vector<64x128xf32>, vector<2560x128xf32> -> vector<2560x128xf32>
    %logistic3A = arith.negf %dot_general3A_5 : vector<2560x128xf32>
    %logistic3A_6 = math.exp %logistic3A : vector<2560x128xf32>
    %logistic3A_7 = arith.constant 1.000000e+00 : f32
    %logistic3A_8 = vector.broadcast %logistic3A_7 : f32 to vector<2560x128xf32>
    %logistic3A_9 = arith.addf %logistic3A_8, %logistic3A_6 : vector<2560x128xf32>
    %logistic3A_10 = arith.divf %logistic3A_8, %logistic3A_9 : vector<2560x128xf32>
    %mul3A = arith.mulf %dot_general3A_5, %logistic3A_10 : vector<2560x128xf32>
    %mul3A_11 = arith.constant 1.6739881 : f32
    %mul3A_12 = vector.broadcast %mul3A_11 : f32 to vector<2560x128xf32>
    %mul3A_13 = arith.mulf %mul3A_12, %mul3A : vector<2560x128xf32>
    %get3A_14 = arith.constant 0 : index
    %get3A_15 = arith.constant 0 : index
    %get3A_16 = vector.load %arg5[%get3A_14, %get3A_15] : memref<128x128xf32, #tpu.memory_space<vmem>>, vector<128x128xf32>
    %dot_general3A_17 = arith.constant dense<0.000000e+00> : vector<2560x128xf32>
    %dot_general3A_18 = tpu.matmul %mul3A_13, %get3A_16, %dot_general3A_17 {dimension_numbers = #tpu.dot_dimension_numbers<[1], [0], [0], [1], [0, 0, 1, 1], [], []>, transpose_lhs_hint = false} : vector<2560x128xf32>, vector<128x128xf32>, vector<2560x128xf32> -> vector<2560x128xf32>
    %logistic3A_19 = arith.negf %dot_general3A_18 : vector<2560x128xf32>
    %logistic3A_20 = math.exp %logistic3A_19 : vector<2560x128xf32>
    %logistic3A_21 = arith.constant 1.000000e+00 : f32
    %logistic3A_22 = vector.broadcast %logistic3A_21 : f32 to vector<2560x128xf32>
    %logistic3A_23 = arith.addf %logistic3A_22, %logistic3A_20 : vector<2560x128xf32>
    %logistic3A_24 = arith.divf %logistic3A_22, %logistic3A_23 : vector<2560x128xf32>
    %mul3A_25 = arith.mulf %dot_general3A_18, %logistic3A_24 : vector<2560x128xf32>
    %mul3A_26 = arith.constant 1.6739881 : f32
    %mul3A_27 = vector.broadcast %mul3A_26 : f32 to vector<2560x128xf32>
    %mul3A_28 = arith.mulf %mul3A_27, %mul3A_25 : vector<2560x128xf32>
    %get3A_29 = arith.constant 0 : index
    %get3A_30 = arith.constant 0 : index
    %get3A_31 = vector.load %arg6[%get3A_29, %get3A_30] : memref<128x512xf32, #tpu.memory_space<vmem>>, vector<128x512xf32>
    %dot_general3A_32 = arith.constant dense<0.000000e+00> : vector<2560x512xf32>
    %dot_general3A_33 = tpu.matmul %mul3A_28, %get3A_31, %dot_general3A_32 {dimension_numbers = #tpu.dot_dimension_numbers<[1], [0], [0], [1], [0, 0, 1, 1], [], []>, transpose_lhs_hint = false} : vector<2560x128xf32>, vector<128x512xf32>, vector<2560x512xf32> -> vector<2560x512xf32>
    %get3A_34 = arith.constant 0 : index
    %get3A_35 = arith.constant 0 : index
    %get3A_36 = vector.load %arg2[%get3A_34, %get3A_35] : memref<2560x4xf32, #tpu.memory_space<vmem>>, vector<2560x4xf32>
    %slice3A = vector.extract_strided_slice %dot_general3A_33 {offsets = [0, 0], sizes = [2560, 128], strides = [1, 1]} : vector<2560x512xf32> to vector<2560x128xf32>
    %slice3A_37 = vector.extract_strided_slice %get3A_36 {offsets = [0, 0], sizes = [2560, 1], strides = [1, 1]} : vector<2560x4xf32> to vector<2560x1xf32>
    %mul3A_38 = vector.broadcast %slice3A_37 : vector<2560x1xf32> to vector<2560x128xf32>
    %mul3A_39 = arith.mulf %slice3A, %mul3A_38 : vector<2560x128xf32>
    %slice3A_40 = vector.extract_strided_slice %dot_general3A_33 {offsets = [0, 128], sizes = [2560, 128], strides = [1, 1]} : vector<2560x512xf32> to vector<2560x128xf32>
    %slice3A_41 = vector.extract_strided_slice %get3A_36 {offsets = [0, 1], sizes = [2560, 1], strides = [1, 1]} : vector<2560x4xf32> to vector<2560x1xf32>
    %mul3A_42 = vector.broadcast %slice3A_41 : vector<2560x1xf32> to vector<2560x128xf32>
    %mul3A_43 = arith.mulf %slice3A_40, %mul3A_42 : vector<2560x128xf32>
    %add3A = arith.addf %mul3A_39, %mul3A_43 : vector<2560x128xf32>
    %slice3A_44 = vector.extract_strided_slice %dot_general3A_33 {offsets = [0, 256], sizes = [2560, 128], strides = [1, 1]} : vector<2560x512xf32> to vector<2560x128xf32>
    %slice3A_45 = vector.extract_strided_slice %get3A_36 {offsets = [0, 2], sizes = [2560, 1], strides = [1, 1]} : vector<2560x4xf32> to vector<2560x1xf32>
    %mul3A_46 = vector.broadcast %slice3A_45 : vector<2560x1xf32> to vector<2560x128xf32>
    %mul3A_47 = arith.mulf %slice3A_44, %mul3A_46 : vector<2560x128xf32>
    %add3A_48 = arith.addf %add3A, %mul3A_47 : vector<2560x128xf32>
    %slice3A_49 = vector.extract_strided_slice %dot_general3A_33 {offsets = [0, 384], sizes = [2560, 128], strides = [1, 1]} : vector<2560x512xf32> to vector<2560x128xf32>
    %slice3A_50 = vector.extract_strided_slice %get3A_36 {offsets = [0, 3], sizes = [2560, 1], strides = [1, 1]} : vector<2560x4xf32> to vector<2560x1xf32>
    %mul3A_51 = vector.broadcast %slice3A_50 : vector<2560x1xf32> to vector<2560x128xf32>
    %mul3A_52 = arith.mulf %slice3A_49, %mul3A_51 : vector<2560x128xf32>
    %add3A_53 = arith.addf %add3A_48, %mul3A_52 : vector<2560x128xf32>
    %get3A_54 = arith.constant 0 : index
    %get3A_55 = arith.constant 0 : index
    %get3A_56 = vector.load %arg3[%get3A_54, %get3A_55] : memref<2560x128xf32, #tpu.memory_space<vmem>>, vector<2560x128xf32>
    %mul3A_57 = arith.mulf %add3A_53, %get3A_56 : vector<2560x128xf32>
    %swap3A = arith.constant 0 : index
    %swap3A_58 = arith.constant 0 : index
    %swap3A_59 = vector.load %arg7[%swap3A, %swap3A_58] : memref<2560x128xf32, #tpu.memory_space<vmem>>, vector<2560x128xf32>
    tpu.vector_store %arg7[%swap3A, %swap3A_58], %mul3A_57 {strides = array<i32>} : memref<2560x128xf32, #tpu.memory_space<vmem>>, vector<2560x128xf32>,
    return
  }
  func.func @transform_0(%arg0: i32) -> (i32, i32) {
    %c0_i32 = arith.constant 0 : i32
    %c0_i32_0 = arith.constant 0 : i32
    return %arg0, %c0_i32 : i32, i32
  }
  func.func @transform_1(%arg0: i32) -> (i32, i32) {
    %c0_i32 = arith.constant 0 : i32
    %c0_i32_0 = arith.constant 0 : i32
    return %arg0, %c0_i32 : i32, i32
  }
  func.func @transform_2(%arg0: i32) -> (i32, i32) {
    %c0_i32 = arith.constant 0 : i32
    %c0_i32_0 = arith.constant 0 : i32
    return %arg0, %c0_i32 : i32, i32
  }
  func.func @transform_3(%arg0: i32) -> (i32, i32) {
    %c0_i32 = arith.constant 0 : i32
    %c0_i32_0 = arith.constant 0 : i32
    %c0_i32_1 = arith.constant 0 : i32
    return %c0_i32, %c0_i32_0 : i32, i32
  }
  func.func @transform_4(%arg0: i32) -> (i32, i32) {
    %c0_i32 = arith.constant 0 : i32
    %c0_i32_0 = arith.constant 0 : i32
    %c0_i32_1 = arith.constant 0 : i32
    return %c0_i32, %c0_i32_0 : i32, i32
  }
  func.func @transform_5(%arg0: i32) -> (i32, i32) {
    %c0_i32 = arith.constant 0 : i32
    %c0_i32_0 = arith.constant 0 : i32
    %c0_i32_1 = arith.constant 0 : i32
    return %c0_i32, %c0_i32_0 : i32, i32
  }
  func.func @transform_6(%arg0: i32) -> (i32, i32) {
    %c0_i32 = arith.constant 0 : i32
    %c0_i32_0 = arith.constant 0 : i32
    return %arg0, %c0_i32 : i32, i32
  }
}

module attributes {stable_mosaic.version = 14 : i64} {
  func.func @_final_body(%arg0: i32, %arg1: memref<2000x128xf32, #tpu.memory_space<vmem>>, %arg2: memref<2000x128xf32, #tpu.memory_space<vmem>>, %arg3: memref<128x128xf32, #tpu.memory_space<vmem>>, %arg4: memref<2000x128xf32, #tpu.memory_space<vmem>>) attributes {dimension_semantics = [#tpu.dimension_semantics<arbitrary>], iteration_bounds = array<i64: 5>, scalar_prefetch = 0 : i64, scratch_operands = 0 : i64, tpu.core_type = #tpu.core_type<tc>, window_params = [{transform_indices = @transform_0, window_bounds = array<i64: 2000, 128>}, {transform_indices = @transform_1, window_bounds = array<i64: 2000, 128>}, {pipeline_mode = #tpu.pipeline_mode<synchronous>, transform_indices = @transform_2, window_bounds = array<i64: 128, 128>}, {transform_indices = @transform_3, window_bounds = array<i64: 2000, 128>}]} {
    %get3A = arith.constant 0 : index
    %get3A_0 = arith.constant 0 : index
    %get3A_1 = vector.load %arg1[%get3A, %get3A_0] : memref<2000x128xf32, #tpu.memory_space<vmem>>, vector<2000x128xf32>
    %get3A_2 = arith.constant 0 : index
    %get3A_3 = arith.constant 0 : index
    %get3A_4 = vector.load %arg2[%get3A_2, %get3A_3] : memref<2000x128xf32, #tpu.memory_space<vmem>>, vector<2000x128xf32>
    %get3A_5 = arith.constant 0 : index
    %get3A_6 = arith.constant 0 : index
    %get3A_7 = vector.load %arg3[%get3A_5, %get3A_6] : memref<128x128xf32, #tpu.memory_space<vmem>>, vector<128x128xf32>
    %dot_general3A = arith.constant dense<0.000000e+00> : vector<2000x128xf32>
    %dot_general3A_8 = tpu.matmul %get3A_4, %get3A_7, %dot_general3A {dimension_numbers = #tpu.dot_dimension_numbers<[1], [0], [0], [1], [0, 0, 1, 1], [], []>, transpose_lhs_hint = false} : vector<2000x128xf32>, vector<128x128xf32>, vector<2000x128xf32> -> vector<2000x128xf32>
    %add3A = arith.addf %get3A_1, %dot_general3A_8 : vector<2000x128xf32>
    %swap3A = arith.constant 0 : index
    %swap3A_9 = arith.constant 0 : index
    %swap3A_10 = vector.load %arg4[%swap3A, %swap3A_9] : memref<2000x128xf32, #tpu.memory_space<vmem>>, vector<2000x128xf32>
    tpu.vector_store %arg4[%swap3A, %swap3A_9], %add3A {strides = array<i32>} : memref<2000x128xf32, #tpu.memory_space<vmem>>, vector<2000x128xf32>,
    return
  }
  func.func @transform_0(%arg0: i32) -> (i32, i32) {
    %c0_i32 = arith.constant 0 : i32
    %c0_i32_0 = arith.constant 0 : i32
    return %arg0, %c0_i32 : i32, i32
  }
  func.func @transform_1(%arg0: i32) -> (i32, i32) {
    %c0_i32 = arith.constant 0 : i32
    %c0_i32_0 = arith.constant 0 : i32
    return %arg0, %c0_i32 : i32, i32
  }
  func.func @transform_2(%arg0: i32) -> (i32, i32) {
    %c0_i32 = arith.constant 0 : i32
    %c0_i32_0 = arith.constant 0 : i32
    %c0_i32_1 = arith.constant 0 : i32
    return %c0_i32, %c0_i32_0 : i32, i32
  }
  func.func @transform_3(%arg0: i32) -> (i32, i32) {
    %c0_i32 = arith.constant 0 : i32
    %c0_i32_0 = arith.constant 0 : i32
    return %arg0, %c0_i32 : i32, i32
  }
}

</mosaic_0001>

<sc_bundles>
// kernel: kernel.6.cloned.1.call-start
scs
__scs_entry_jumppad:
0x0: {  	(pc) =	sbr.rel $0x88, $3  }
0x1: {  	(tag) =	ssettag $0x0;
	lr =	simm.s32 $0x1  }
0x2: {  	[smem:$0x3F99] =	sst lr;
	_ =	strace $0xD0000000  }
0x3: {  	_ = 	snop  }
0x4: {  	_ = 	snop  }
0x5: {  	_ = 	snop  }
0x6: {  	_ = 	snop  }
0x7: {  	_ = 	snop  }
__scs_overlays_trampoline_lowered:
0x8: {  	[smem:$0x3FA8] =	sst s0  }
0x9: {  	[smem:$0x3FA9] =	sst s1  }
0xa: {  	[smem:$0x3FAA] =	sst s2  }
0xb: {  	[smem:$0x3FAB] =	sst s3  }
0xc: {  	[smem:$0x3FAC] =	sst s4  }
0xd: {  	[smem:$0x3FAD] =	sst s5  }
0xe: {  	[smem:$0x3FAE] =	sst s6  }
0xf: {  	[smem:$0x3FAF] =	sst s7  }
0x10: {  	[smem:$0x3FB0] =	sst s8  }
0x11: {  	[smem:$0x3FB1] =	sst s9;
	s0 =	simm.s32 @!p0 $0x0  }
0x12: {  	s1 =	sld [smem:$0x3F97];
	s0 =	simm.s32 @p0 $0x1  }
0x13: {  	[smem:$0x3FB2] =	sst s0;
	s0 =	simm.s32 @!p1 $0x0  }
0x14: {  	s2 =	sld [smem:$0x3F96];
	s0 =	simm.s32 @p1 $0x1  }
0x15: {  	[smem:$0x3FB3] =	sst s0;
	s0 =	simm.s32 @!p2 $0x0  }
0x16: {  	s3 =	sld [smem:$0x3FDB];
	s0 =	simm.s32 @p2 $0x1  }
0x17: {  	s4 =	simm.s32 $0x1BF5;
	[smem:$0x3FB5] =	sst s0  }
0x18: {  	s0 =	sld [smem:$0x3F98];
	_ =	swait.ge [sflag:s4], $0x0  }
0x19: {  	s7 =	sld [smem:$0x3F99]  }
0x1a: {  	s8 =	sadd.s32 $0xFFFFE003, lr  }
0x1b: {  	s9 =	sadd.s32 $0xFFFFFEF7, lr;
	s5 =	simm.s32 $0xFFFFFFFF;
	p2 =	slt.u32 s8, $0xFFFFF086  }
0x1c: {  	p1 =	slt.u32 s9, $0xF7A;
	s5 =	simm.s32 @!p2 $0x0  }
0x1d: {  	s5 =	simm.s32 @p1 $0x1;
	p0 =	seq.s32 s7, s2  }
0x1e: {  	s7 =	smul.u32 @!p0 $0xF7A, s2;
	p2 =	seq.s32 @!p0 s5, $0x0  }
0x1f: {  	s9 =	smul.u32 $0xF7A, s1;
	s8 =	simm.s32 @!p0 $0x1BF5;
	p2 =	por !p2, p0  }
0x20: {  	[sflag:s8] =	ssyncset.s32 @!p0 $0xFFFFF086;
	s6 =	sadd.s32 @!p0 s3, s7;
	s7 =	simm.s32 @!p0 $0x108  }
0x21: {  	s3 =	sadd.s32 s3, s9;
	s6 =	sadd.s32 @!p0 $0x88, s6;
	s7 =	simm.s32 @p2 $0x1082  }
0x22: {  	[simem:s7], [sflag:s8] =	dma.local @!p0 [hbm:s6], $0xF7A  }
0x23: {  	s9 =	sor.u32 $0xD0000000, s2;
	s6 =	simm.s32 $0x108;
	_ =	swait.ge @!p0 [sflag:s8], $0x0  }
0x24: {  	s3 =	sadd.s32 $0x88, s3;
	s6 =	simm.s32 @!p1 $0x1082;
	[sflag:s4] =	ssyncset.s32 $0xFFFFF086  }
0x25: {  	[simem:s6], [sflag:s4] =	dma.local [hbm:s3], $0xF7A  }
0x26: {  	[smem:$0x3F99] =	sst s1;
	(tag) =	ssettag s2;
	_ =	strace s9  }
0x27: {  	s1 =	sld [smem:$0x3FA9]  }
0x28: {  	s2 =	sld [smem:$0x3FAA]  }
0x29: {  	s4 =	sld [smem:$0x3FAC]  }
0x2a: {  	p0 =	seq.s32 s5, $0x0;
	s5 =	sld [smem:$0x3FAD]  }
0x2b: {  	s6 =	sld [smem:$0x3FAE]  }
0x2c: {  	s7 =	sld [smem:$0x3FAF]  }
0x2d: {  	s3 =	simm.s32 $0x108;
	s8 =	sld [smem:$0x3FB0]  }
0x2e: {  	s3 =	simm.s32 @!p0 $0x1082;
	s9 =	sld [smem:$0x3FB1]  }
0x2f: {  	lr =	sadd.s32 s0, s3;
	s0 =	sld [smem:$0x3FA8]  }
0x30: {  	s3 =	sld [smem:$0x3FAB]  }
0x31: {  	[smem:$0x3FB4] =	sst s10  }
0x32: {  	s10 =	sld [smem:$0x3FB2];
	_ =	sdelay $0x3  }
0x33: {  	p0 =	seq.s32 s10, $0x1;
	s10 =	sld [smem:$0x3FB4];
	_ =	sdelay $0x3  }
0x34: {  	[smem:$0x3FB4] =	sst s10  }
0x35: {  	s10 =	sld [smem:$0x3FB3];
	_ =	sdelay $0x3  }
0x36: {  	p1 =	seq.s32 s10, $0x1;
	s10 =	sld [smem:$0x3FB4];
	_ =	sdelay $0x3  }
0x37: {  	[smem:$0x3FB4] =	sst s10  }
0x38: {  	s10 =	sld [smem:$0x3FB5]  }
0x39: {  	_ = 	snop;
	(pc) =	sbr.ind lr, $3  }
0x3a: {  	_ = 	snop  }
0x3b: {  	_ = 	snop  }
0x3c: {  	p2 =	seq.s32 s10, $0x1;
	s10 =	sld [smem:$0x3FB4]  }
0x3d: {  	_ =	shalt  }
0x3e: {  	_ =	shalt  }
0x3f: {  	_ =	shalt  }
0x40: {  	_ =	shalt  }
0x41: {  	_ =	shalt  }
0x42: {  	_ =	shalt  }
0x43: {  	_ =	shalt  }
0x44: {  	_ =	shalt  }
0x45: {  	_ =	shalt  }
0x46: {  	_ =	shalt  }
0x47: {  	_ =	shalt  }
0x48: {  	_ =	shalt  }
0x49: {  	_ =	shalt  }
0x4a: {  	_ =	shalt  }
0x4b: {  	_ =	shalt  }
0x4c: {  	_ =	shalt  }
0x4d: {  	_ =	shalt  }
0x4e: {  	_ =	shalt  }
0x4f: {  	_ =	shalt  }
0x50: {  	_ =	shalt  }
0x51: {  	_ =	shalt  }
0x52: {  	_ =	shalt  }
0x53: {  	_ =	shalt  }
0x54: {  	_ =	shalt  }
0x55: {  	_ =	shalt  }
0x56: {  	_ =	shalt  }
0x57: {  	_ =	shalt  }
0x58: {  	_ =	shalt  }
0x59: {  	_ =	shalt  }
0x5a: {  	_ =	shalt  }
0x5b: {  	_ =	shalt  }
0x5c: {  	_ =	shalt  }
0x5d: {  	_ =	shalt  }
0x5e: {  	_ =	shalt  }
0x5f: {  	_ =	shalt  }
0x60: {  	_ =	shalt  }
0x61: {  	_ =	shalt  }
0x62: {  	_ =	shalt  }
0x63: {  	_ =	shalt  }
0x64: {  	_ =	shalt  }
0x65: {  	_ =	shalt  }
0x66: {  	_ =	shalt  }
0x67: {  	_ =	shalt  }
0x68: {  	_ =	shalt  }
0x69: {  	_ =	shalt  }
0x6a: {  	_ =	shalt  }
0x6b: {  	_ =	shalt  }
0x6c: {  	_ =	shalt  }
0x6d: {  	_ =	shalt  }
0x6e: {  	_ =	shalt  }
0x6f: {  	_ =	shalt  }
0x70: {  	_ =	shalt  }
0x71: {  	_ =	shalt  }
0x72: {  	_ =	shalt  }
0x73: {  	_ =	shalt  }
0x74: {  	_ =	shalt  }
0x75: {  	_ =	shalt  }
0x76: {  	_ =	shalt  }
0x77: {  	_ =	shalt  }
0x78: {  	_ =	shalt  }
0x79: {  	_ =	shalt  }
0x7a: {  	_ =	shalt  }
0x7b: {  	_ =	shalt  }
0x7c: {  	_ =	shalt  }
0x7d: {  	_ =	shalt  }
0x7e: {  	_ =	shalt  }
0x7f: {  	_ =	shalt  }
0x80: {  	_ =	shalt  }
0x81: {  	_ =	shalt  }
0x82: {  	_ =	shalt  }
0x83: {  	_ =	shalt  }
0x84: {  	_ =	shalt  }
0x85: {  	_ =	shalt  }
0x86: {  	_ =	shalt  }
0x87: {  	_ =	shalt  }
.Lfunc_end0:
.L_simem_size_0:
called_computation_lowered:
.L_overlay_start_0:
0x88: {  	s2 =	sld [smem:$0x3FD9]  }
0x89: {  	s3 =	sld [smem:$0x3FFE];
	_ =	sdelay $0x1  }
0x8a: {  	s1 =	srdreg.scid  }
0x8b: {  	s0 =	sand.u32 $0x1, s1  }
0x8c: {  	s17 =	sshll.u32 s0, $0xA;
	s2 =	sadd.s32 s3, s2  }
0x8d: {  	s2 =	sadd.s32 s2, s17  }
0x8e: {  	[smem:$0x3FC0] =	sst s2  }
0x8f: {  	_ = 	snop  }
0x90: {  	s2 =	sld [smem:$0x3FC8]  }
0x91: {  	s18 =	sld [smem:$0x3FD0];
	(tm) =	ssettm $0x1  }
0x92: {  	s4 =	sld [smem:$0x3FFB];
	_ =	sdelay $0x3  }
0x93: {  	_ =	strace s4  }
0x94: {  	s4 =	sld [smem:$0x3FFC];
	_ =	sdelay $0x3  }
0x95: {  	_ =	strace s4  }
0x96: {  	s4 =	sld [smem:$0x3FFD];
	_ =	sdelay $0x3  }
0x97: {  	_ =	strace s4  }
0x98: {  	_ =	strace $0x8FFFFFFF  }
0x99: {  	s19 =	sld [smem:$0x3FDB];
	_ =	sdelay $0x1  }
0x9a: {  	s5 =	simm.s32 $_scs_section_size  }
0x9b: {  	s6 =	simm.s32 $_size__tile_overlayer_lowered;
	s7 =	simm.s32 $_tile_overlayer_lowered  }
0x9c: {  	s22 =	simm.s32 $0x1BFF;
	s21 =	sshll.u32 s7, $0x1;
	s4 =	sadd.s32 s5, s19  }
0x9d: {  	s8 =	simm.s32 $0x0;
	s20 =	sshll.u32 s6, $0x1;
	s6 =	sadd.s32 s21, s4  }
0x9e: {  	[timem:s8], [sflag:s22] =	dma.local [hbm:s6], s20  }
0x9f: {  	_ =	swait.ge [sflag:s22], s20  }
0xa0: {  	s5 =	ssub.s32 $0x0, s20;
	[sflag:s22] =	ssyncset.done $0x0  }
0xa1: {  	[sflag:s22] =	ssyncadd.s32 s5;
	_ =	sdelay $0x1  }
0xa2: {  	s23 =	simm.s32 $0x1B8B  }
0xa3: {  	_ =	swait.ge [sflag:s23], $0x1  }
0xa4: {  	[sflag:s23] =	ssyncset.done $0x0  }
0xa5: {  	s25 =	simm.s32 $0x1B8E;
	s24 =	sld [smem:$0x3FFE];
	[sflag:s23] =	ssyncadd.s32 $0xFFFFFFFF  }
0xa6: {  	s26 =	simm.s32 $execute0_lowered;
	[smem:$0x3FD2] =	sst s25  }
0xa7: {  	s6 =	sshll.u32 s26, $0x1;
	_ =	strace $0x80000046;
	[dreg:$0x1] =	wrdreg $0xFFFFFFFF  }
0xa8: {  	s28 =	simm.s32 $_size_execute0_lowered;
	s4 =	sadd.s32 s4, s6;
	[dreg:$0x0] =	wrdreg $0x0  }
0xa9: {  	s6 =	sshll.u32 s28, $0x1;
	[dreg:$0x2] =	wrdreg s4  }
0xaa: {  	[dreg:$0x3] =	wrdreg s6  }
0xab: {  	[dreg:$0x4] =	wrdreg $0xC0  }
0xac: {  	_ =	task [dreg:s8], $0x5FFFF  }
0xad: {  	[dreg:$0x1] =	wrdreg $0xFFFFFFFF  }
0xae: {  	[dreg:$0x0] =	wrdreg $0x60  }
0xaf: {  	[dreg:$0x2] =	wrdreg s2  }
0xb0: {  	[dreg:$0x3] =	wrdreg s18  }
0xb1: {  	[dreg:$0x4] =	wrdreg s24  }
0xb2: {  	[dreg:$0x5] =	wrdreg $0x9  }
0xb3: {  	_ =	task.clear_ibuf [dreg:s8], $0x6FFFF;
	_ =	strace $0x90000046  }
0xb4: {  	s29 =	simm.s32 $0x9;
	_ =	strace $0x80000048  }
0xb5: {  	_ =	swait.ge [sflag:s29], $0x1  }
0xb6: {  	[sflag:s29] =	ssyncadd.s32 $0xFFFFFFFF  }
0xb7: {  	_ =	strace $0x90000048  }
0xb8: {  	_ =	sfence  }
0xb9: {  	s30 =	sld [smem:$0x0];
	_ =	sdelay $0x2  }
0xba: {  	s31 =	sshll.u32 s1, $0xD;
	s1 =	sshrl.u32 s1, $0x2  }
0xbb: {  	s3 =	sand.u32 $0x4000, s31;
	s1 =	sadd.s32 s1, s30  }
0xbc: {  	s0 =	sor.u32 s3, s0;
	s1 =	sshll.u32 s1, $0x11  }
0xbd: {  	s0 =	sor.u32 s1, s0  }
0xbe: {  	s0 =	sadd.s32 $0x8F2B, s0  }
0xbf: {  	[sflag:s0] =	ssyncadd.remote.s32 $0x1  }
0xc0: {  	_ =	sfence.sel $0xFFFF  }
0xc1: {  	[dreg:$0x0] =	wrdreg $0xFFFFFFFF;
	(pc) =	sbr.abs _section_cstart, $3  }
0xc2: {  	[dreg:$0x1] =	wrdreg $0xFFFFFFFF  }
0xc3: {  	_ =	task.clear_ibuf [dreg:s8], $0x2FFFF;
	_ =	strace $0x9FFFFFFF  }
0xc4: {  	(tm) =	ssettm $0x7FFFFFFF  }
0xc5: {  	_ =	shalt  }
tec
execute0_lowered:
.L_overlay_start_1:
0x0: {  	(tag) =	ssettag $0x1  }
0x1: {  	s1 =	rddreg [dreg:$0x0]  }
0x2: {  	s0 =	stileid.u32;
	s6 =	rddreg [dreg:$0x1]  }
0x3: {  	s2 =	srdreg.scid;
	s7 =	rddreg [dreg:$0x2]  }
0x4: {  	s3 =	simm.s32 $0x0;
	s11 =	simm.s32 $0x0;
	s4 =	smul.u32 $0x4E200, s0  }
0x5: {  	s5 =	sand.u32 $0x1, s2;
	s2 =	rddreg [dreg:$0x3];
	s9 =	smul.u32 $0x4E20, s0  }
0x6: {  	[smem:$0x7FF] =	sst s3;
	s8 =	smul.u32 $0x27100, s5;
	s10 =	ssub.s32 $0x2, s5  }
0x7: {  	s5 =	smul.u32 $0x2710, s5;
	s4 =	sadd.s32 s4, s7;
	s30 =	sshrl.u32 s10, $0x1  }
0x8: {  	_ =	strace $0x80000047;
	s7 =	ssub.s32 s10, s30;
	s8 =	sadd.s32 s8, s4  }
0x9: {  	s9 =	sadd.s32 s5, s9;
	s10 =	simm.s32 $0x1;
	s4 =	smax.u32 s7, $0x1  }
0xa: {  	s5 =	sadd.s32 $0xAC00, s8;
	s31 =	sshrl.u32 s9, $0x3;
	s7 =	simm.s32 $0x2  }
0xb: {  	s8 =	simm.s32 $0x50;
	s9 =	simm.s32 $0x80;
	s6 =	sadd.s32 s31, s6  }
.LBB2_1:
0xc: {  	s12 =	sadd.s32 $0x0, s6  }
0xd: {  	[tilespmem:s3], [sflag:$0x2] =	stream.linear.gather [hbm4b:s12+s3], $0x50, $0x38;
	[tilespmem:$0x2880] =	vst v63  }
0xe: {  	_ =	swait.ge [sflag:s7], $0x50  }
0xf: {  	[sflag:s7] =	ssyncset.done $0x0  }
0x10: {  	[sflag:s7] =	ssyncadd.s32 $0xFFFFFFB0  }
0x11: {  	[tilespmem:s9], [sflag:$0x1] =	stream.indirect.gather [hbm4b:s1+s8], $0x80, s3, s8, $0xb8;
	[tilespmem:$0x2880] =	vst v63  }
0x12: {  	_ =	swait.ge [sflag:s10], $0x2800  }
0x13: {  	[sflag:s10] =	ssyncset.done $0x0  }
0x14: {  	[sflag:s10] =	ssyncadd.s32 $0xFFFFD800  }
0x15: {  	[hbm4b:s5+s3] =	stream.linear.scatter [tilespmem:s9], [sflag:$0x2], $0x2800, $0x38;
	[tilespmem:$0x2880] =	vst v63  }
0x16: {  	s13 =	simm.s32 $0xA;
	_ =	swait.ge [sflag:s7], $0x2800  }
0x17: {  	s14 =	simm.s32 $0x14;
	s12 =	sadd.s32 $0x500, s5;
	[sflag:s7] =	ssyncset.done $0x0  }
.LBB2_2:
0x18: {  	s15 =	sadd.s32 s13, s6  }
0x19: {  	[sflag:s7] =	ssyncadd.s32 $0xFFFFD800;
	s13 =	smov.u32 s14;
	s16 =	sadd.s32 $0xA, s14  }
0x1a: {  	[tilespmem:s3], [sflag:$0x2] =	stream.linear.gather [hbm4b:s15+s3], $0x50, $0x38;
	[tilespmem:$0x2880] =	vst v63  }
0x1b: {  	p0 =	sne.s32 s14, $0x4D8;
	_ =	swait.ge [sflag:s7], $0x50  }
0x1c: {  	[sflag:s7] =	ssyncset.done $0x0  }
0x1d: {  	[sflag:s7] =	ssyncadd.s32 $0xFFFFFFB0  }
0x1e: {  	[tilespmem:s9], [sflag:$0x1] =	stream.indirect.gather [hbm4b:s1+s8], $0x80, s3, s8, $0xb8;
	[tilespmem:$0x2880] =	vst v63  }
0x1f: {  	_ =	swait.ge [sflag:s10], $0x2800  }
.Ltmp0:
0x20: {  	[sflag:s10] =	ssyncset.done $0x0;
	(pc) =	sbr.rel @p0 .LBB2_2-.Ltmp0, $4  }
0x21: {  	[sflag:s10] =	ssyncadd.s32 $0xFFFFD800  }
0x22: {  	[hbm4b:s12+s3] =	stream.linear.scatter [tilespmem:s9], [sflag:$0x2], $0x2800, $0x38;
	[tilespmem:$0x2880] =	vst v63  }
0x23: {  	_ =	swait.ge [sflag:s7], $0x2800  }
0x24: {  	s14 =	smov.u32 s16;
	s12 =	sadd.s32 $0x500, s12;
	[sflag:s7] =	ssyncset.done $0x0  }
0x25: {  	s13 =	sadd.s32 s13, s6;
	[sflag:s7] =	ssyncadd.s32 $0xFFFFD800  }
0x26: {  	[tilespmem:s3], [sflag:$0x2] =	stream.linear.gather [hbm4b:s13+s3], $0x50, $0x38;
	[tilespmem:$0x2880] =	vst v63  }
0x27: {  	_ =	swait.ge [sflag:s7], $0x50  }
0x28: {  	[sflag:s7] =	ssyncset.done $0x0  }
0x29: {  	[sflag:s7] =	ssyncadd.s32 $0xFFFFFFB0  }
0x2a: {  	[tilespmem:s9], [sflag:$0x1] =	stream.indirect.gather [hbm4b:s1+s8], $0x80, s3, s8, $0xb8;
	[tilespmem:$0x2880] =	vst v63  }
0x2b: {  	s11 =	sadd.s32 $0x1, s11;
	_ =	swait.ge [sflag:s10], $0x2800  }
0x2c: {  	p0 =	sne.s32 s11, s4;
	[sflag:s10] =	ssyncset.done $0x0  }
.Ltmp1:
0x2d: {  	[sflag:s10] =	ssyncadd.s32 $0xFFFFD800;
	(pc) =	sbr.rel @p0 .LBB2_1-.Ltmp1, $4  }
0x2e: {  	[hbm4b:s12+s3] =	stream.linear.scatter [tilespmem:s9], [sflag:$0x2], $0x2800, $0x38;
	[tilespmem:$0x2880] =	vst v63  }
0x2f: {  	_ =	swait.ge [sflag:s7], $0x2800  }
0x30: {  	[sflag:s7] =	ssyncset.done $0x0  }
0x31: {  	[sflag:s7] =	ssyncadd.s32 $0xFFFFD800  }
0x32: {  	_ =	sfence.sel $0x180000  }
0x33: {  	[bflag:$0x0] =	sbarrier.arrive $0xFFFF  }
0x34: {  	p0 =	sne.s32 s0, $0x0;
	_ =	strace $0x90000047  }
0x35: {  	s0 =	sadd.s32 @!p0 $0x100000, s2;
	[bflag:$0x2] =	sbarrier.arrive $0xFFFF  }
0x36: {  	[sflag:s0] =	ssyncadd.tile.s32 @!p0 $0x1;
	_ =	shalt  }
.Lfunc_end2:
_tile_overlayer_lowered:
.L_overlay_start_2:
0x37: {  	(tag) =	ssettag $0x2  }
0x38: {  	s0 =	rddreg [dreg:$0x0];
	s2 =	stileid.u32  }
0x39: {  	s1 =	rddreg [dreg:$0x1];
	p0 =	sne.s32 s2, $0x0  }
0x3a: {  	s3 =	rddreg [dreg:$0x2];
	[bflag:$0x3] =	sbarrier.arrive $0xFFFF;
	s2 =	simm.s32 @!p0 $0x1C02  }
0x3b: {  	[timem:s3], [sflag:s2] =	dma.local @!p0 [hbm:s0], s1  }
0x3c: {  	s0 =	simm.s32 @!p0 $0x2  }
0x3d: {  	_ =	swait.ge @!p0 [sflag:s0], s1  }
0x3e: {  	s1 =	ssub.s32 @!p0 $0x0, s1;
	[sflag:s0] =	ssyncset.done @!p0 $0x0  }
0x3f: {  	[sflag:s0] =	ssyncadd.s32 @!p0 s1  }
0x40: {  	[bflag:$0x3] =	sbarrier.arrive $0xFFFF  }
0x41: {  	_ =	shalt  }

// kernel: kernel.9.cloned.1.call-start
scs
__scs_entry_jumppad:
0x0: {  	(pc) =	sbr.rel $0x88, $3  }
0x1: {  	(tag) =	ssettag $0x0;
	lr =	simm.s32 $0x1  }
0x2: {  	[smem:$0x3F99] =	sst lr;
	_ =	strace $0xD0000000  }
0x3: {  	_ = 	snop  }
0x4: {  	_ = 	snop  }
0x5: {  	_ = 	snop  }
0x6: {  	_ = 	snop  }
0x7: {  	_ = 	snop  }
__scs_overlays_trampoline_lowered:
0x8: {  	[smem:$0x3FA8] =	sst s0  }
0x9: {  	[smem:$0x3FA9] =	sst s1  }
0xa: {  	[smem:$0x3FAA] =	sst s2  }
0xb: {  	[smem:$0x3FAB] =	sst s3  }
0xc: {  	[smem:$0x3FAC] =	sst s4  }
0xd: {  	[smem:$0x3FAD] =	sst s5  }
0xe: {  	[smem:$0x3FAE] =	sst s6  }
0xf: {  	[smem:$0x3FAF] =	sst s7  }
0x10: {  	[smem:$0x3FB0] =	sst s8  }
0x11: {  	[smem:$0x3FB1] =	sst s9;
	s0 =	simm.s32 @!p0 $0x0  }
0x12: {  	s1 =	sld [smem:$0x3F97];
	s0 =	simm.s32 @p0 $0x1  }
0x13: {  	[smem:$0x3FB2] =	sst s0;
	s0 =	simm.s32 @!p1 $0x0  }
0x14: {  	s2 =	sld [smem:$0x3F96];
	s0 =	simm.s32 @p1 $0x1  }
0x15: {  	[smem:$0x3FB3] =	sst s0;
	s0 =	simm.s32 @!p2 $0x0  }
0x16: {  	s3 =	sld [smem:$0x3FDB];
	s0 =	simm.s32 @p2 $0x1  }
0x17: {  	s4 =	simm.s32 $0x1BF5;
	[smem:$0x3FB5] =	sst s0  }
0x18: {  	s0 =	sld [smem:$0x3F98];
	_ =	swait.ge [sflag:s4], $0x0  }
0x19: {  	s7 =	sld [smem:$0x3F99]  }
0x1a: {  	s8 =	sadd.s32 $0xFFFFE003, lr  }
0x1b: {  	s9 =	sadd.s32 $0xFFFFFEF7, lr;
	s5 =	simm.s32 $0xFFFFFFFF;
	p2 =	slt.u32 s8, $0xFFFFF086  }
0x1c: {  	p1 =	slt.u32 s9, $0xF7A;
	s5 =	simm.s32 @!p2 $0x0  }
0x1d: {  	s5 =	simm.s32 @p1 $0x1;
	p0 =	seq.s32 s7, s2  }
0x1e: {  	s7 =	smul.u32 @!p0 $0xF7A, s2;
	p2 =	seq.s32 @!p0 s5, $0x0  }
0x1f: {  	s9 =	smul.u32 $0xF7A, s1;
	s8 =	simm.s32 @!p0 $0x1BF5;
	p2 =	por !p2, p0  }
0x20: {  	[sflag:s8] =	ssyncset.s32 @!p0 $0xFFFFF086;
	s6 =	sadd.s32 @!p0 s3, s7;
	s7 =	simm.s32 @!p0 $0x108  }
0x21: {  	s3 =	sadd.s32 s3, s9;
	s6 =	sadd.s32 @!p0 $0x88, s6;
	s7 =	simm.s32 @p2 $0x1082  }
0x22: {  	[simem:s7], [sflag:s8] =	dma.local @!p0 [hbm:s6], $0xF7A  }
0x23: {  	s9 =	sor.u32 $0xD0000000, s2;
	s6 =	simm.s32 $0x108;
	_ =	swait.ge @!p0 [sflag:s8], $0x0  }
0x24: {  	s3 =	sadd.s32 $0x88, s3;
	s6 =	simm.s32 @!p1 $0x1082;
	[sflag:s4] =	ssyncset.s32 $0xFFFFF086  }
0x25: {  	[simem:s6], [sflag:s4] =	dma.local [hbm:s3], $0xF7A  }
0x26: {  	[smem:$0x3F99] =	sst s1;
	(tag) =	ssettag s2;
	_ =	strace s9  }
0x27: {  	s1 =	sld [smem:$0x3FA9]  }
0x28: {  	s2 =	sld [smem:$0x3FAA]  }
0x29: {  	s4 =	sld [smem:$0x3FAC]  }
0x2a: {  	p0 =	seq.s32 s5, $0x0;
	s5 =	sld [smem:$0x3FAD]  }
0x2b: {  	s6 =	sld [smem:$0x3FAE]  }
0x2c: {  	s7 =	sld [smem:$0x3FAF]  }
0x2d: {  	s3 =	simm.s32 $0x108;
	s8 =	sld [smem:$0x3FB0]  }
0x2e: {  	s3 =	simm.s32 @!p0 $0x1082;
	s9 =	sld [smem:$0x3FB1]  }
0x2f: {  	lr =	sadd.s32 s0, s3;
	s0 =	sld [smem:$0x3FA8]  }
0x30: {  	s3 =	sld [smem:$0x3FAB]  }
0x31: {  	[smem:$0x3FB4] =	sst s10  }
0x32: {  	s10 =	sld [smem:$0x3FB2];
	_ =	sdelay $0x3  }
0x33: {  	p0 =	seq.s32 s10, $0x1;
	s10 =	sld [smem:$0x3FB4];
	_ =	sdelay $0x3  }
0x34: {  	[smem:$0x3FB4] =	sst s10  }
0x35: {  	s10 =	sld [smem:$0x3FB3];
	_ =	sdelay $0x3  }
0x36: {  	p1 =	seq.s32 s10, $0x1;
	s10 =	sld [smem:$0x3FB4];
	_ =	sdelay $0x3  }
0x37: {  	[smem:$0x3FB4] =	sst s10  }
0x38: {  	s10 =	sld [smem:$0x3FB5]  }
0x39: {  	_ = 	snop;
	(pc) =	sbr.ind lr, $3  }
0x3a: {  	_ = 	snop  }
0x3b: {  	_ = 	snop  }
0x3c: {  	p2 =	seq.s32 s10, $0x1;
	s10 =	sld [smem:$0x3FB4]  }
0x3d: {  	_ =	shalt  }
0x3e: {  	_ =	shalt  }
0x3f: {  	_ =	shalt  }
0x40: {  	_ =	shalt  }
0x41: {  	_ =	shalt  }
0x42: {  	_ =	shalt  }
0x43: {  	_ =	shalt  }
0x44: {  	_ =	shalt  }
0x45: {  	_ =	shalt  }
0x46: {  	_ =	shalt  }
0x47: {  	_ =	shalt  }
0x48: {  	_ =	shalt  }
0x49: {  	_ =	shalt  }
0x4a: {  	_ =	shalt  }
0x4b: {  	_ =	shalt  }
0x4c: {  	_ =	shalt  }
0x4d: {  	_ =	shalt  }
0x4e: {  	_ =	shalt  }
0x4f: {  	_ =	shalt  }
0x50: {  	_ =	shalt  }
0x51: {  	_ =	shalt  }
0x52: {  	_ =	shalt  }
0x53: {  	_ =	shalt  }
0x54: {  	_ =	shalt  }
0x55: {  	_ =	shalt  }
0x56: {  	_ =	shalt  }
0x57: {  	_ =	shalt  }
0x58: {  	_ =	shalt  }
0x59: {  	_ =	shalt  }
0x5a: {  	_ =	shalt  }
0x5b: {  	_ =	shalt  }
0x5c: {  	_ =	shalt  }
0x5d: {  	_ =	shalt  }
0x5e: {  	_ =	shalt  }
0x5f: {  	_ =	shalt  }
0x60: {  	_ =	shalt  }
0x61: {  	_ =	shalt  }
0x62: {  	_ =	shalt  }
0x63: {  	_ =	shalt  }
0x64: {  	_ =	shalt  }
0x65: {  	_ =	shalt  }
0x66: {  	_ =	shalt  }
0x67: {  	_ =	shalt  }
0x68: {  	_ =	shalt  }
0x69: {  	_ =	shalt  }
0x6a: {  	_ =	shalt  }
0x6b: {  	_ =	shalt  }
0x6c: {  	_ =	shalt  }
0x6d: {  	_ =	shalt  }
0x6e: {  	_ =	shalt  }
0x6f: {  	_ =	shalt  }
0x70: {  	_ =	shalt  }
0x71: {  	_ =	shalt  }
0x72: {  	_ =	shalt  }
0x73: {  	_ =	shalt  }
0x74: {  	_ =	shalt  }
0x75: {  	_ =	shalt  }
0x76: {  	_ =	shalt  }
0x77: {  	_ =	shalt  }
0x78: {  	_ =	shalt  }
0x79: {  	_ =	shalt  }
0x7a: {  	_ =	shalt  }
0x7b: {  	_ =	shalt  }
0x7c: {  	_ =	shalt  }
0x7d: {  	_ =	shalt  }
0x7e: {  	_ =	shalt  }
0x7f: {  	_ =	shalt  }
0x80: {  	_ =	shalt  }
0x81: {  	_ =	shalt  }
0x82: {  	_ =	shalt  }
0x83: {  	_ =	shalt  }
0x84: {  	_ =	shalt  }
0x85: {  	_ =	shalt  }
0x86: {  	_ =	shalt  }
0x87: {  	_ =	shalt  }
.Lfunc_end0:
.L_simem_size_0:
called_computation.1_lowered:
.L_overlay_start_0:
0x88: {  	s2 =	sld [smem:$0x3FD9]  }
0x89: {  	s3 =	sld [smem:$0x3FFE];
	_ =	sdelay $0x1  }
0x8a: {  	s1 =	srdreg.scid  }
0x8b: {  	s0 =	sand.u32 $0x1, s1  }
0x8c: {  	s17 =	sshll.u32 s0, $0xA;
	s2 =	sadd.s32 s3, s2  }
0x8d: {  	s2 =	sadd.s32 s2, s17  }
0x8e: {  	[smem:$0x3FC0] =	sst s2  }
0x8f: {  	_ = 	snop  }
0x90: {  	s2 =	sld [smem:$0x3FD0];
	(tm) =	ssettm $0x1  }
0x91: {  	s18 =	sld [smem:$0x3FFB];
	_ =	sdelay $0x3  }
0x92: {  	_ =	strace s18  }
0x93: {  	s3 =	sld [smem:$0x3FFC];
	_ =	sdelay $0x3  }
0x94: {  	_ =	strace s3  }
0x95: {  	s3 =	sld [smem:$0x3FFD];
	_ =	sdelay $0x3  }
0x96: {  	_ =	strace s3  }
0x97: {  	_ =	strace $0x8FFFFFFF  }
0x98: {  	s19 =	sld [smem:$0x3FDB];
	_ =	sdelay $0x1  }
0x99: {  	s4 =	simm.s32 $_scs_section_size  }
0x9a: {  	s5 =	simm.s32 $_size__tile_overlayer_lowered;
	s6 =	simm.s32 $_tile_overlayer_lowered  }
0x9b: {  	s22 =	simm.s32 $0x1BFF;
	s21 =	sshll.u32 s6, $0x1;
	s3 =	sadd.s32 s4, s19  }
0x9c: {  	s7 =	simm.s32 $0x0;
	s20 =	sshll.u32 s5, $0x1;
	s5 =	sadd.s32 s21, s3  }
0x9d: {  	[timem:s7], [sflag:s22] =	dma.local [hbm:s5], s20  }
0x9e: {  	_ =	swait.ge [sflag:s22], s20  }
0x9f: {  	s4 =	ssub.s32 $0x0, s20;
	[sflag:s22] =	ssyncset.done $0x0  }
0xa0: {  	[sflag:s22] =	ssyncadd.s32 s4;
	_ =	sdelay $0x1  }
0xa1: {  	s23 =	simm.s32 $0x1B8B  }
0xa2: {  	_ =	swait.ge [sflag:s23], $0x1  }
0xa3: {  	[sflag:s23] =	ssyncset.done $0x0  }
0xa4: {  	s25 =	simm.s32 $0x1B8E;
	s24 =	sld [smem:$0x3FFE];
	[sflag:s23] =	ssyncadd.s32 $0xFFFFFFFF  }
0xa5: {  	s26 =	simm.s32 $execute0_lowered;
	[smem:$0x3FD2] =	sst s25  }
0xa6: {  	s5 =	sshll.u32 s26, $0x1;
	_ =	strace $0x80000049;
	[dreg:$0x1] =	wrdreg $0xFFFFFFFF  }
0xa7: {  	s28 =	simm.s32 $_size_execute0_lowered;
	s3 =	sadd.s32 s3, s5;
	[dreg:$0x0] =	wrdreg $0x0  }
0xa8: {  	s5 =	sshll.u32 s28, $0x1;
	[dreg:$0x2] =	wrdreg s3  }
0xa9: {  	[dreg:$0x3] =	wrdreg s5  }
0xaa: {  	[dreg:$0x4] =	wrdreg $0xC0  }
0xab: {  	_ =	task [dreg:s7], $0x5FFFF  }
0xac: {  	[dreg:$0x1] =	wrdreg $0xFFFFFFFF  }
0xad: {  	[dreg:$0x0] =	wrdreg $0x60  }
0xae: {  	[dreg:$0x2] =	wrdreg s24  }
0xaf: {  	[dreg:$0x3] =	wrdreg s2  }
0xb0: {  	[dreg:$0x4] =	wrdreg $0x8C800  }
0xb1: {  	[dreg:$0x5] =	wrdreg $0x9  }
0xb2: {  	_ =	task.clear_ibuf [dreg:s7], $0x6FFFF;
	_ =	strace $0x90000049  }
0xb3: {  	s29 =	simm.s32 $0x9;
	_ =	strace $0x8000004B  }
0xb4: {  	_ =	swait.ge [sflag:s29], $0x1  }
0xb5: {  	[sflag:s29] =	ssyncadd.s32 $0xFFFFFFFF  }
0xb6: {  	_ =	strace $0x9000004B  }
0xb7: {  	_ =	sfence  }
0xb8: {  	s30 =	sld [smem:$0x0];
	_ =	sdelay $0x2  }
0xb9: {  	s31 =	sshll.u32 s1, $0xD;
	s1 =	sshrl.u32 s1, $0x2  }
0xba: {  	s3 =	sand.u32 $0x4000, s31;
	s1 =	sadd.s32 s1, s30  }
0xbb: {  	s0 =	sor.u32 s3, s0;
	s1 =	sshll.u32 s1, $0x11  }
0xbc: {  	s0 =	sor.u32 s1, s0  }
0xbd: {  	s0 =	sadd.s32 $0x8F2B, s0  }
0xbe: {  	[sflag:s0] =	ssyncadd.remote.s32 $0x1  }
0xbf: {  	_ =	sfence.sel $0xFFFF  }
0xc0: {  	[dreg:$0x0] =	wrdreg $0xFFFFFFFF;
	(pc) =	sbr.abs _section_cstart, $3  }
0xc1: {  	[dreg:$0x1] =	wrdreg $0xFFFFFFFF  }
0xc2: {  	_ =	task.clear_ibuf [dreg:s7], $0x2FFFF;
	_ =	strace $0x9FFFFFFF  }
0xc3: {  	(tm) =	ssettm $0x7FFFFFFF  }
tec
execute0_lowered:
.L_overlay_start_1:
0x0: {  	(tag) =	ssettag $0x1  }
0x1: {  	s4 =	rddreg [dreg:$0x0]  }
0x2: {  	s10 =	rddreg [dreg:$0x1]  }
0x3: {  	s2 =	rddreg [dreg:$0x2];
	s1 =	stileid.u32  }
0x4: {  	s0 =	rddreg [dreg:$0x3];
	s5 =	smul.u32 $0x4E200, s1  }
0x5: {  	s3 =	simm.s32 $0x0;
	s7 =	srdreg.scid;
	s6 =	smul.u32 $0x9C4, s1  }
0x6: {  	s14 =	simm.s32 $0x50;
	s15 =	simm.s32 $0x0;
	s11 =	smul.u32 $0x19000, s1  }
0x7: {  	[smem:$0x7FF] =	sst s3;
	s7 =	sand.u32 $0x1, s7;
	s31 =	smul.u32 $0xC80, s1  }
0x8: {  	s30 =	ssub.s32 $0x28, s1;
	_ =	strace $0x8000004A;
	s13 =	smul.u32 $0x1388, s7  }
0x9: {  	s28 =	ssub.s32 $0x2, s7;
	s12 =	smul.u32 $0x13880, s7;
	s8 =	sadd.s32 s5, s4  }
0xa: {  	s9 =	sadd.s32 s6, s4;
	s4 =	sadd.s32 $0xAC00, s4;
	s29 =	sshrl.u32 s28, $0x1  }
0xb: {  	s5 =	sshrl.u32 s30, $0x4;
	s11 =	sshrl.u32 s11, $0x2;
	s6 =	ssub.s32 s28, s29  }
0xc: {  	s7 =	sadd.s32 s11, s2;
	s8 =	sadd.s32 $0xEB0C00, s8;
	s9 =	sadd.s32 $0xE00, s9  }
0xd: {  	v1 =	vlaneseq.u32;
	s10 =	sadd.s32 s12, s10;
	s11 =	simm.s32 $0x2880;
	s12 =	simm.s32 $0x1  }
0xe: {  	v1 =	vor.u32 $0x1388, v1;
	v0 =	vmov s13;
	s13 =	simm.s32 $0x80;
	s6 =	smax.u32 s6, $0x1;
	s10 =	sadd.s32 s31, s10  }
.LBB2_1:
0xf: {  	[tilespmem:s11], [sflag:$0x1] =	stream.linear.gather [hbm4b:s4+s3], $0x6400, $0x38;
	[tilespmem:$0x12900] =	vst v63  }
0x10: {  	p0 =	sne.s32 s5, $0x1;
	_ =	swait.ge [sflag:s12], $0x6400  }
.Ltmp0:
0x11: {  	[sflag:s12] =	ssyncset.done $0x0;
	(pc) =	sbr.rel @!p0 .LBB2_3-.Ltmp0, $4  }
0x12: {  	[sflag:s12] =	ssyncadd.s32 $0xFFFF9C00  }
0x13: {  	[spmem:s7] =	stream.linear.scatter [tilespmem:s11], [sflag:$0x1], $0x6400, $0x38;
	[tilespmem:$0x12900] =	vst v63  }
0x14: {  	_ =	swait.ge [sflag:s12], $0x6400  }
0x15: {  	s16 =	sadd.s32 $0xFFFFFFFF, s5;
	s17 =	smov.u32 s7;
	[sflag:s12] =	ssyncset.done $0x0  }
.LBB2_2:
0x16: {  	p1 =	sne.s32 s16, $0x1;
	[sflag:s12] =	ssyncadd.s32 $0xFFFF9C00;
	s17 =	sadd.s32 $0x64000, s17  }
.Ltmp1:
0x17: {  	s16 =	sadd.s32 $0xFFFFFFFF, s16;
	(pc) =	sbr.rel @p1 .LBB2_2-.Ltmp1, $4  }
0x18: {  	_ = 	snop  }
0x19: {  	[spmem:s17] =	stream.linear.scatter [tilespmem:s11], [sflag:$0x1], $0x6400, $0x38;
	[tilespmem:$0x12900] =	vst v63  }
0x1a: {  	_ =	swait.ge [sflag:s12], $0x6400  }
0x1b: {  	[sflag:s12] =	ssyncset.done $0x0  }
.LBB2_3:
0x1c: {  	[sflag:s12] =	ssyncadd.s32 $0xFFFF9C00  }
0x1d: {  	s16 =	sadd.s32 $0x0, s9;
	[bflag:$0x0] =	sbarrier.arrive $0xFFFF  }
0x1e: {  	[tilespmem:s3], [sflag:$0x1] =	stream.linear.gather [hbm4b:s16+s3], $0x50, $0x38;
	[tilespmem:$0x12900] =	vst v63  }
0x1f: {  	_ =	swait.ge [sflag:s12], $0x50  }
0x20: {  	[sflag:s12] =	ssyncset.done $0x0  }
0x21: {  	[sflag:s12] =	ssyncadd.s32 $0xFFFFFFB0  }
0x22: {  	[tilespmem:s13], [sflag:$0x1] =	stream.linear.gather [hbm4b:s8+s3], $0x2800, $0x38;
	[tilespmem:$0x12900] =	vst v63  }
0x23: {  	_ =	swait.ge [sflag:s12], $0x2800  }
0x24: {  	[sflag:s12] =	ssyncset.done $0x0  }
0x25: {  	[sflag:s12] =	ssyncadd.s32 $0xFFFFD800  }
0x26: {  	v2 =	vld [tilespmem:$0x40]  }
0x27: {  	v3 =	vld [tilespmem:$0x30]  }
0x28: {  	v4 =	vld [tilespmem:$0x20]  }
0x29: {  	v5 =	vld [tilespmem:$0x10]  }
0x2a: {  	v6 =	vld [tilespmem:$0x0]  }
0x2b: {  	v2 =	vsub.s32 v2, v0  }
0x2c: {  	v3 =	vsub.s32 v3, v0;
	vm0 =	vlt.u32 v2, $0x1388  }
0x2d: {  	v4 =	vsub.s32 v4, v0;
	vm1 =	vlt.u32 v3, $0x1388;
	v2 =	vsel vm0, v2, v1  }
0x2e: {  	v5 =	vsub.s32 v5, v0;
	vm13 =	vlt.u32 v4, $0x1388;
	v3 =	vsel vm1, v3, v1;
	[tilespmem:$0x40] =	vst v2  }
0x2f: {  	vm14 =	vlt.u32 v5, $0x1388;
	v4 =	vsel vm13, v4, v1;
	v2 =	vsub.s32 v6, v0;
	[tilespmem:$0x30] =	vst v3  }
0x30: {  	v3 =	vsel vm14, v5, v1;
	[tilespmem:$0x20] =	vst v4;
	vm15 =	vlt.u32 v2, $0x1388  }
0x31: {  	s17 =	smov.u32 s8;
	s16 =	simm.s32 $0xA;
	[tilespmem:$0x10] =	vst v3;
	v2 =	vsel vm15, v2, v1  }
.LBB2_4:
0x32: {  	p1 =	sne.s32 s16, $0x9BA  }
0x33: {  	[tilespmem:$0x0] =	vst v2;
	s17 =	sadd.s32 $0x500, s17;
	s18 =	smov.u32 s16;
	s16 =	sadd.s32 $0xA, s16  }
0x34: {  	[spmem:s2] =	stream.indirect.scatter.add.f32 [tilespmem:s13], [sflag:$0x1], $0x80, s3, s14, $0xb8;
	[tilespmem:$0x12900] =	vst v63  }
0x35: {  	_ =	swait.ge [sflag:s12], $0x2800  }
0x36: {  	[sflag:s12] =	ssyncset.done $0x0  }
0x37: {  	s18 =	sadd.s32 s18, s9;
	[sflag:s12] =	ssyncadd.s32 $0xFFFFD800  }
0x38: {  	[tilespmem:s3], [sflag:$0x1] =	stream.linear.gather [hbm4b:s18+s3], $0x50, $0x38;
	[tilespmem:$0x12900] =	vst v63  }
0x39: {  	_ =	swait.ge [sflag:s12], $0x50  }
0x3a: {  	[sflag:s12] =	ssyncset.done $0x0  }
0x3b: {  	[sflag:s12] =	ssyncadd.s32 $0xFFFFFFB0  }
0x3c: {  	[tilespmem:s13], [sflag:$0x1] =	stream.linear.gather [hbm4b:s17+s3], $0x2800, $0x38;
	[tilespmem:$0x12900] =	vst v63  }
0x3d: {  	_ =	swait.ge [sflag:s12], $0x2800  }
0x3e: {  	[sflag:s12] =	ssyncset.done $0x0  }
0x3f: {  	[sflag:s12] =	ssyncadd.s32 $0xFFFFD800  }
0x40: {  	v2 =	vld [tilespmem:$0x40]  }
0x41: {  	v3 =	vld [tilespmem:$0x30]  }
0x42: {  	v4 =	vld [tilespmem:$0x20]  }
0x43: {  	v5 =	vld [tilespmem:$0x10]  }
0x44: {  	v6 =	vld [tilespmem:$0x0]  }
0x45: {  	v2 =	vsub.s32 v2, v0  }
0x46: {  	v3 =	vsub.s32 v3, v0;
	vm0 =	vlt.u32 v2, $0x1388  }
.Ltmp2:
0x47: {  	v4 =	vsub.s32 v4, v0;
	vm1 =	vlt.u32 v3, $0x1388;
	v2 =	vsel vm0, v2, v1;
	(pc) =	sbr.rel @p1 .LBB2_4-.Ltmp2, $4  }
0x48: {  	v5 =	vsub.s32 v5, v0;
	vm0 =	vlt.u32 v4, $0x1388;
	v3 =	vsel vm1, v3, v1;
	[tilespmem:$0x40] =	vst v2  }
0x49: {  	v2 =	vsub.s32 v6, v0;
	vm1 =	vlt.u32 v5, $0x1388;
	v4 =	vsel vm0, v4, v1;
	[tilespmem:$0x30] =	vst v3  }
0x4a: {  	vm0 =	vlt.u32 v2, $0x1388;
	v3 =	vsel vm1, v5, v1;
	[tilespmem:$0x20] =	vst v4  }
0x4b: {  	v2 =	vsel vm0, v2, v1;
	[tilespmem:$0x10] =	vst v3  }
0x4c: {  	[tilespmem:$0x0] =	vst v2  }
0x4d: {  	[spmem:s2] =	stream.indirect.scatter.add.f32 [tilespmem:s13], [sflag:$0x1], $0x80, s3, s14, $0xb8;
	[tilespmem:$0x12900] =	vst v63  }
0x4e: {  	_ =	swait.ge [sflag:s12], $0x2800  }
0x4f: {  	[sflag:s12] =	ssyncset.done $0x0  }
0x50: {  	[sflag:s12] =	ssyncadd.s32 $0xFFFFD800  }
0x51: {  	[bflag:$0x0] =	sbarrier.arrive $0xFFFF  }
0x52: {  	[tilespmem:s11], [sflag:$0x1] =	stream.linear.gather [spmem:s7], $0x6400, $0x38;
	[tilespmem:$0x12900] =	vst v63  }
0x53: {  	_ =	swait.ge [sflag:s12], $0x6400  }
.Ltmp3:
0x54: {  	[sflag:s12] =	ssyncset.done $0x0;
	(pc) =	sbr.rel @!p0 .LBB2_7-.Ltmp3, $4  }
0x55: {  	[sflag:s12] =	ssyncadd.s32 $0xFFFF9C00  }
0x56: {  	[hbm4b:s10+s3] =	stream.linear.scatter [tilespmem:s11], [sflag:$0x1], $0x6400, $0x38;
	[tilespmem:$0x12900] =	vst v63  }
0x57: {  	s16 =	sadd.s32 $0xFFFFFFFF, s5;
	_ =	swait.ge [sflag:s12], $0x6400  }
0x58: {  	s17 =	smov.u32 s10;
	s18 =	smov.u32 s7;
	[sflag:s12] =	ssyncset.done $0x0  }
.LBB2_6:
0x59: {  	[sflag:s12] =	ssyncadd.s32 $0xFFFF9C00;
	s17 =	sadd.s32 $0xC800, s17;
	s18 =	sadd.s32 $0x64000, s18  }
0x5a: {  	[tilespmem:s11], [sflag:$0x1] =	stream.linear.gather [spmem:s18], $0x6400, $0x38;
	[tilespmem:$0x12900] =	vst v63  }
0x5b: {  	p0 =	sne.s32 s16, $0x1;
	s16 =	sadd.s32 $0xFFFFFFFF, s16;
	_ =	swait.ge [sflag:s12], $0x6400  }
.Ltmp4:
0x5c: {  	[sflag:s12] =	ssyncset.done $0x0;
	(pc) =	sbr.rel @p0 .LBB2_6-.Ltmp4, $4  }
0x5d: {  	[sflag:s12] =	ssyncadd.s32 $0xFFFF9C00  }
0x5e: {  	[hbm4b:s17+s3] =	stream.linear.scatter [tilespmem:s11], [sflag:$0x1], $0x6400, $0x38;
	[tilespmem:$0x12900] =	vst v63  }
0x5f: {  	_ =	swait.ge [sflag:s12], $0x6400  }
0x60: {  	[sflag:s12] =	ssyncset.done $0x0  }
.LBB2_7:
0x61: {  	s15 =	sadd.s32 $0x1, s15  }
0x62: {  	p0 =	sne.s32 s15, s6  }
.Ltmp5:
0x63: {  	_ = 	snop;
	(pc) =	sbr.rel @p0 .LBB2_1-.Ltmp5, $2  }
0x64: {  	_ =	sdelay $0x2  }
0x65: {  	[sflag:s12] =	ssyncadd.s32 $0xFFFF9C00  }
0x66: {  	_ =	sfence.sel $0x180000  }
0x67: {  	[bflag:$0x0] =	sbarrier.arrive $0xFFFF  }
0x68: {  	p0 =	sne.s32 s1, $0x0;
	_ =	strace $0x9000004A  }
0x69: {  	s0 =	sadd.s32 @!p0 $0x100000, s0;
	[bflag:$0x2] =	sbarrier.arrive $0xFFFF  }
0x6a: {  	[sflag:s0] =	ssyncadd.tile.s32 @!p0 $0x1;
	_ =	shalt  }
.Lfunc_end2:
_tile_overlayer_lowered:
.L_overlay_start_2:
0x6b: {  	(tag) =	ssettag $0x2  }
0x6c: {  	s0 =	rddreg [dreg:$0x0];
	s2 =	stileid.u32  }
0x6d: {  	s1 =	rddreg [dreg:$0x1];
	p0 =	sne.s32 s2, $0x0  }
0x6e: {  	s3 =	rddreg [dreg:$0x2];
	[bflag:$0x3] =	sbarrier.arrive $0xFFFF;
	s2 =	simm.s32 @!p0 $0x1C01  }
0x6f: {  	[timem:s3], [sflag:s2] =	dma.local @!p0 [hbm:s0], s1  }
0x70: {  	s0 =	simm.s32 @!p0 $0x1  }
0x71: {  	_ =	swait.ge @!p0 [sflag:s0], s1  }
0x72: {  	s1 =	ssub.s32 @!p0 $0x0, s1;
	[sflag:s0] =	ssyncset.done @!p0 $0x0  }
0x73: {  	[sflag:s0] =	ssyncadd.s32 @!p0 s1  }
0x74: {  	[bflag:$0x3] =	sbarrier.arrive $0xFFFF  }
0x75: {  	_ =	shalt  }

</sc_bundles>
